<compile_context>
chip_gen: v7x
topology: tpu7x:2x2x1
jax: 0.10.2.dev20260603
libtpu: 0.0.44.dev20260713+nightly
codegen_flags: <defaults>
</compile_context>

<pallas_src>
import functools

import jax
import jax.numpy as jnp
from jax import lax
from jax.experimental import pallas as pl
from jax.experimental.pallas import tpu as pltpu
from jax.experimental.pallas import tpu_sc as plsc

NUM_BINS = 255
MIN_V = -20.0
MAX_V = 20.0
BIN_WIDTH = (MAX_V - MIN_V) / (NUM_BINS - 1)

N = 262144
NC = 2
NS = 16
NW = NC * NS
RW = N // NW
C = 128
NCH = RW // C
NBUF = 2
L = 16


def _bins(v):
    v = jnp.minimum(jnp.maximum(v, MIN_V), MAX_V)
    norm = (v - MIN_V) / BIN_WIDTH
    lo = jnp.minimum(norm.astype(jnp.int32), NUM_BINS - 1)
    lof = lo.astype(jnp.float32)
    up = jnp.minimum(jnp.where(norm > lof, lo + 1, lo), NUM_BINS - 1)
    return lo, up, norm - lof


def _sc_body(values_hbm, out_hbm, vals_v, *rest):
    bufs = rest[:NBUF]
    sems = rest[NBUF:2 * NBUF]
    vsem = rest[2 * NBUF]

    wid = lax.axis_index("s") * NC + lax.axis_index("c")
    row0 = wid * RW

    vcopy = pltpu.async_copy(values_hbm.at[pl.ds(row0, RW)], vals_v, vsem)

    zeros = jnp.zeros((L,), jnp.float32)
    lane = lax.iota(jnp.int32, L)

    def memset_rows(buf):
        def body(r, carry):
            for g in range(NUM_BINS // L):
                buf[r, pl.ds(g * L, L)] = zeros
            buf[r, pl.ds(NUM_BINS - L, L)] = zeros
            return carry
        lax.fori_loop(0, C, body, 0)

    def chunk_step(chunk, b, clear):
        buf = bufs[b]
        vbase = chunk * C
        ovbase = (chunk - NBUF) * C

        def group(g, carry):
            rows = lane + g * L
            if clear:
                olo, oup, _ = _bins(vals_v[pl.ds(ovbase + g * L, L)])
                plsc.store_scatter(buf, [rows, olo], zeros)
                plsc.store_scatter(buf, [rows, oup], zeros)
            lo, up, uw = _bins(vals_v[pl.ds(vbase + g * L, L)])
            plsc.store_scatter(buf, [rows, lo], 1.0 - uw)
            plsc.addupdate_scatter(buf, [rows, up], uw)
            return carry

        lax.fori_loop(0, C // L, group, 0)

    def issue(chunk, b):
        dst = out_hbm.at[pl.ds(row0 + chunk * C, C)]
        pltpu.async_copy(bufs[b], dst, sems[b])

    def drain(chunk, b):
        dst = out_hbm.at[pl.ds(row0 + chunk * C, C)]
        pltpu.make_async_copy(bufs[b], dst, sems[b]).wait()

    memset_rows(bufs[0])
    vcopy.wait()
    for b in range(NBUF):
        if b:
            memset_rows(bufs[b])
        chunk_step(b, b, clear=False)
        issue(b, b)

    def ring_body(p, carry):
        for b in range(NBUF):
            chunk = p * NBUF + b
            drain(chunk - NBUF, b)
            chunk_step(chunk, b, clear=True)
            issue(chunk, b)
        return carry

    lax.fori_loop(1, NCH // NBUF, ring_body, 0)

    for b in range(NBUF):
        drain(NCH - NBUF + b, b)


@functools.partial(
    pl.kernel,
    out_type=jax.ShapeDtypeStruct((N, NUM_BINS), jnp.float32),
    mesh=plsc.VectorSubcoreMesh(core_axis_name="c", subcore_axis_name="s"),
    compiler_params=pltpu.CompilerParams(needs_layout_passes=False),
    scratch_types=(
        [pltpu.VMEM((RW,), jnp.float32)]
        + [pltpu.VMEM((C, NUM_BINS), jnp.float32) for _ in range(NBUF)]
        + [pltpu.SemaphoreType.DMA for _ in range(NBUF)]
        + [pltpu.SemaphoreType.DMA]
    ),
)
def _two_hot_sc(values_hbm, out_hbm, vals_v, *rest):
    _sc_body(values_hbm, out_hbm, vals_v, *rest)


def kernel(values):
    return _two_hot_sc(values)

# --- scband reference (transcript-rebuilt; emitter-appended) ---
"""Pipeline reference for scband-two-hot-encoder-23141283791045 (READ-ONLY COPY).

The authoritative reference and input builder live on the scoring server;
editing this copy changes nothing except your own understanding.
"""

import jax, jax.numpy as jnp
import numpy as np

NUM_BINS = 255
MIN_V = -20.0
MAX_V = 20.0


def setup_inputs(seed: int = 0) -> dict:
    key = jax.random.key(seed)
    values = jax.random.normal(key, (262144,), dtype=jnp.float32)
    return {"values": values}


def reference(values):
    num_bins = NUM_BINS
    v = jnp.clip(values, MIN_V, MAX_V)
    bin_width = (MAX_V - MIN_V) / (num_bins - 1)
    normalized = (v - MIN_V) / bin_width
    lower_idx = jnp.clip(jnp.floor(normalized).astype(jnp.int32), 0, num_bins - 1)
    upper_idx = jnp.clip(jnp.ceil(normalized).astype(jnp.int32), 0, num_bins - 1)
    upper_w = normalized - lower_idx.astype(jnp.float32)
    lower_w = 1.0 - upper_w
    flat_n = int(np.prod(v.shape))
    rows = jnp.arange(flat_n)
    two_hot = jnp.zeros((flat_n, num_bins), dtype=jnp.float32)
    # torch scatter_ -> overwrite (set); torch scatter_add_ -> add
    two_hot = two_hot.at[rows, lower_idx.reshape(-1)].set(lower_w.reshape(-1))
    two_hot = two_hot.at[rows, upper_idx.reshape(-1)].add(upper_w.reshape(-1))
    return two_hot.reshape(v.shape + (num_bins,))

if __name__ == "__main__":
    import jax
    _d = setup_inputs()
    print(jax.jit(kernel)(*tuple(_d.values())))

</pallas_src>

<mosaic_0001>
#map = affine_map<(d0, d1) -> (0)>
#map1 = affine_map<(d0, d1) -> (0, 0)>
module attributes {stable_mosaic.version = 14 : i64} {
  func.func @_two_hot_sc(%arg0: i32, %arg1: i32, %arg2: memref<262144xf32, #tpu.memory_space<hbm>>, %arg3: memref<262144x255xf32, #tpu.memory_space<hbm>>, %arg4: memref<8192xf32, #tpu.memory_space<vmem>>, %arg5: memref<128x255xf32, #tpu.memory_space<vmem>>, %arg6: memref<128x255xf32, #tpu.memory_space<vmem>>, %arg7: memref<!tpu.dma_semaphore, #tpu.memory_space<semaphore_mem>>, %arg8: memref<!tpu.dma_semaphore, #tpu.memory_space<semaphore_mem>>, %arg9: memref<!tpu.dma_semaphore, #tpu.memory_space<semaphore_mem>>) attributes {dimension_semantics = [#tpu.dimension_semantics<core_parallel>, #tpu.dimension_semantics<subcore_parallel>], iteration_bounds = array<i64: 2, 16>, scalar_prefetch = 0 : i64, scratch_operands = 6 : i64, tpu.core_type = #tpu.core_type<sc_vector_subcore>, window_params = [{transform_indices = #map}, {transform_indices = #map1}]} {
    %mul3A = arith.constant 2 : i32
    %mul3A_0 = arith.muli %arg1, %mul3A : i32
    %add3A = arith.addi %mul3A_0, %arg0 : i32
    %mul3A_1 = arith.constant 8192 : i32
    %mul3A_2 = arith.muli %add3A, %mul3A_1 : i32
    %dma_start3A = tpu.memref_slice %arg2[%mul3A_2] : memref<262144xf32, #tpu.memory_space<hbm>> -> memref<8192xf32, #tpu.memory_space<hbm>>
    %dma_start3A_3 = tpu.memref_slice %arg2[%mul3A_2] : memref<262144xf32, #tpu.memory_space<hbm>> -> memref<8192xf32, #tpu.memory_space<hbm>>
    tpu.enqueue_dma source(%dma_start3A_3 : memref<8192xf32, #tpu.memory_space<hbm>>) target(%arg4 : memref<8192xf32, #tpu.memory_space<vmem>>) target_semaphore(%arg9 : memref<!tpu.dma_semaphore, #tpu.memory_space<semaphore_mem>>)
    %broadcast_in_dim3A = arith.constant 0.000000e+00 : f32
    %broadcast_in_dim3A_4 = vector.broadcast %broadcast_in_dim3A : f32 to vector<16xf32>
    %iota3A = tpu.iota {dimensions = array<i32: 0>} : vector<16xi32>
    %scan3A = arith.constant 0 : i32
    %scan3A_5 = arith.constant 0 : i32
    %scan3A_6 = arith.constant 128 : i32
    %scan3A_7 = arith.addi %scan3A_5, %scan3A_6 : i32
    %scan3A_8 = arith.constant 1 : i32
    scf.for %scan3A_59 = %scan3A_5 to %scan3A_7 step %scan3A_8  : i32 {
      %swap3A = arith.index_cast %scan3A_59 : i32 to index
      %swap3A_60 = arith.constant 0 : index
      %swap3A_61 = tpu.vector_load %arg5[%swap3A, %swap3A_60] {strides = array<i32>} : memref<128x255xf32, #tpu.memory_space<vmem>>, vector<16xf32>,
      tpu.vector_store %arg5[%swap3A, %swap3A_60], %broadcast_in_dim3A_4 {strides = array<i32>} : memref<128x255xf32, #tpu.memory_space<vmem>>, vector<16xf32>,
      %swap3A_62 = arith.index_cast %scan3A_59 : i32 to index
      %swap3A_63 = arith.constant 16 : index
      %swap3A_64 = tpu.vector_load %arg5[%swap3A_62, %swap3A_63] {strides = array<i32>} : memref<128x255xf32, #tpu.memory_space<vmem>>, vector<16xf32>,
      tpu.vector_store %arg5[%swap3A_62, %swap3A_63], %broadcast_in_dim3A_4 {strides = array<i32>} : memref<128x255xf32, #tpu.memory_space<vmem>>, vector<16xf32>,
      %swap3A_65 = arith.index_cast %scan3A_59 : i32 to index
      %swap3A_66 = arith.constant 32 : index
      %swap3A_67 = tpu.vector_load %arg5[%swap3A_65, %swap3A_66] {strides = array<i32>} : memref<128x255xf32, #tpu.memory_space<vmem>>, vector<16xf32>,
      tpu.vector_store %arg5[%swap3A_65, %swap3A_66], %broadcast_in_dim3A_4 {strides = array<i32>} : memref<128x255xf32, #tpu.memory_space<vmem>>, vector<16xf32>,
      %swap3A_68 = arith.index_cast %scan3A_59 : i32 to index
      %swap3A_69 = arith.constant 48 : index
      %swap3A_70 = tpu.vector_load %arg5[%swap3A_68, %swap3A_69] {strides = array<i32>} : memref<128x255xf32, #tpu.memory_space<vmem>>, vector<16xf32>,
      tpu.vector_store %arg5[%swap3A_68, %swap3A_69], %broadcast_in_dim3A_4 {strides = array<i32>} : memref<128x255xf32, #tpu.memory_space<vmem>>, vector<16xf32>,
      %swap3A_71 = arith.index_cast %scan3A_59 : i32 to index
      %swap3A_72 = arith.constant 64 : index
      %swap3A_73 = tpu.vector_load %arg5[%swap3A_71, %swap3A_72] {strides = array<i32>} : memref<128x255xf32, #tpu.memory_space<vmem>>, vector<16xf32>,
      tpu.vector_store %arg5[%swap3A_71, %swap3A_72], %broadcast_in_dim3A_4 {strides = array<i32>} : memref<128x255xf32, #tpu.memory_space<vmem>>, vector<16xf32>,
      %swap3A_74 = arith.index_cast %scan3A_59 : i32 to index
      %swap3A_75 = arith.constant 80 : index
      %swap3A_76 = tpu.vector_load %arg5[%swap3A_74, %swap3A_75] {strides = array<i32>} : memref<128x255xf32, #tpu.memory_space<vmem>>, vector<16xf32>,
      tpu.vector_store %arg5[%swap3A_74, %swap3A_75], %broadcast_in_dim3A_4 {strides = array<i32>} : memref<128x255xf32, #tpu.memory_space<vmem>>, vector<16xf32>,
      %swap3A_77 = arith.index_cast %scan3A_59 : i32 to index
      %swap3A_78 = arith.constant 96 : index
      %swap3A_79 = tpu.vector_load %arg5[%swap3A_77, %swap3A_78] {strides = array<i32>} : memref<128x255xf32, #tpu.memory_space<vmem>>, vector<16xf32>,
      tpu.vector_store %arg5[%swap3A_77, %swap3A_78], %broadcast_in_dim3A_4 {strides = array<i32>} : memref<128x255xf32, #tpu.memory_space<vmem>>, vector<16xf32>,
      %swap3A_80 = arith.index_cast %scan3A_59 : i32 to index
      %swap3A_81 = arith.constant 112 : index
      %swap3A_82 = tpu.vector_load %arg5[%swap3A_80, %swap3A_81] {strides = array<i32>} : memref<128x255xf32, #tpu.memory_space<vmem>>, vector<16xf32>,
      tpu.vector_store %arg5[%swap3A_80, %swap3A_81], %broadcast_in_dim3A_4 {strides = array<i32>} : memref<128x255xf32, #tpu.memory_space<vmem>>, vector<16xf32>,
      %swap3A_83 = arith.index_cast %scan3A_59 : i32 to index
      %swap3A_84 = arith.constant 128 : index
      %swap3A_85 = tpu.vector_load %arg5[%swap3A_83, %swap3A_84] {strides = array<i32>} : memref<128x255xf32, #tpu.memory_space<vmem>>, vector<16xf32>,
      tpu.vector_store %arg5[%swap3A_83, %swap3A_84], %broadcast_in_dim3A_4 {strides = array<i32>} : memref<128x255xf32, #tpu.memory_space<vmem>>, vector<16xf32>,
      %swap3A_86 = arith.index_cast %scan3A_59 : i32 to index
      %swap3A_87 = arith.constant 144 : index
      %swap3A_88 = tpu.vector_load %arg5[%swap3A_86, %swap3A_87] {strides = array<i32>} : memref<128x255xf32, #tpu.memory_space<vmem>>, vector<16xf32>,
      tpu.vector_store %arg5[%swap3A_86, %swap3A_87], %broadcast_in_dim3A_4 {strides = array<i32>} : memref<128x255xf32, #tpu.memory_space<vmem>>, vector<16xf32>,
      %swap3A_89 = arith.index_cast %scan3A_59 : i32 to index
      %swap3A_90 = arith.constant 160 : index
      %swap3A_91 = tpu.vector_load %arg5[%swap3A_89, %swap3A_90] {strides = array<i32>} : memref<128x255xf32, #tpu.memory_space<vmem>>, vector<16xf32>,
      tpu.vector_store %arg5[%swap3A_89, %swap3A_90], %broadcast_in_dim3A_4 {strides = array<i32>} : memref<128x255xf32, #tpu.memory_space<vmem>>, vector<16xf32>,
      %swap3A_92 = arith.index_cast %scan3A_59 : i32 to index
      %swap3A_93 = arith.constant 176 : index
      %swap3A_94 = tpu.vector_load %arg5[%swap3A_92, %swap3A_93] {strides = array<i32>} : memref<128x255xf32, #tpu.memory_space<vmem>>, vector<16xf32>,
      tpu.vector_store %arg5[%swap3A_92, %swap3A_93], %broadcast_in_dim3A_4 {strides = array<i32>} : memref<128x255xf32, #tpu.memory_space<vmem>>, vector<16xf32>,
      %swap3A_95 = arith.index_cast %scan3A_59 : i32 to index
      %swap3A_96 = arith.constant 192 : index
      %swap3A_97 = tpu.vector_load %arg5[%swap3A_95, %swap3A_96] {strides = array<i32>} : memref<128x255xf32, #tpu.memory_space<vmem>>, vector<16xf32>,
      tpu.vector_store %arg5[%swap3A_95, %swap3A_96], %broadcast_in_dim3A_4 {strides = array<i32>} : memref<128x255xf32, #tpu.memory_space<vmem>>, vector<16xf32>,
      %swap3A_98 = arith.index_cast %scan3A_59 : i32 to index
      %swap3A_99 = arith.constant 208 : index
      %swap3A_100 = tpu.vector_load %arg5[%swap3A_98, %swap3A_99] {strides = array<i32>} : memref<128x255xf32, #tpu.memory_space<vmem>>, vector<16xf32>,
      tpu.vector_store %arg5[%swap3A_98, %swap3A_99], %broadcast_in_dim3A_4 {strides = array<i32>} : memref<128x255xf32, #tpu.memory_space<vmem>>, vector<16xf32>,
      %swap3A_101 = arith.index_cast %scan3A_59 : i32 to index
      %swap3A_102 = arith.constant 224 : index
      %swap3A_103 = tpu.vector_load %arg5[%swap3A_101, %swap3A_102] {strides = array<i32>} : memref<128x255xf32, #tpu.memory_space<vmem>>, vector<16xf32>,
      tpu.vector_store %arg5[%swap3A_101, %swap3A_102], %broadcast_in_dim3A_4 {strides = array<i32>} : memref<128x255xf32, #tpu.memory_space<vmem>>, vector<16xf32>,
      %swap3A_104 = arith.index_cast %scan3A_59 : i32 to index
      %swap3A_105 = arith.constant 239 : index
      %swap3A_106 = tpu.vector_load %arg5[%swap3A_104, %swap3A_105] {strides = array<i32>} : memref<128x255xf32, #tpu.memory_space<vmem>>, vector<16xf32>,
      tpu.vector_store %arg5[%swap3A_104, %swap3A_105], %broadcast_in_dim3A_4 {strides = array<i32>} : memref<128x255xf32, #tpu.memory_space<vmem>>, vector<16xf32>,
    }
    %scan3A_9 = arith.constant 128 : i32
    %dma_wait3A = tpu.memref_slice %arg2[%mul3A_2] : memref<262144xf32, #tpu.memory_space<hbm>> -> memref<8192xf32, #tpu.memory_space<hbm>>
    %dma_wait3A_10 = tpu.memref_slice %arg2[%mul3A_2] : memref<262144xf32, #tpu.memory_space<hbm>> -> memref<8192xf32, #tpu.memory_space<hbm>>
    tpu.wait_dma2 semaphore(%arg9 : memref<!tpu.dma_semaphore, #tpu.memory_space<semaphore_mem>>) src(%dma_wait3A_10 : memref<8192xf32, #tpu.memory_space<hbm>>) dst(%arg4 : memref<8192xf32, #tpu.memory_space<vmem>>)
    %scan3A_11 = arith.constant 0 : i32
    %scan3A_12 = arith.constant 0 : i32
    %scan3A_13 = arith.constant 8 : i32
    %scan3A_14 = arith.addi %scan3A_12, %scan3A_13 : i32
    %scan3A_15 = arith.constant 1 : i32
    scf.for %scan3A_59 = %scan3A_12 to %scan3A_14 step %scan3A_15  : i32 {
      %mul3A_60 = arith.constant 16 : i32
      %mul3A_61 = arith.muli %scan3A_59, %mul3A_60 : i32
      %add3A_62 = vector.broadcast %mul3A_61 : i32 to vector<16xi32>
      %add3A_63 = arith.addi %iota3A, %add3A_62 : vector<16xi32>
      %mul3A_64 = arith.constant 16 : i32
      %mul3A_65 = arith.muli %scan3A_59, %mul3A_64 : i32
      %add3A_66 = arith.constant 0 : i32
      %add3A_67 = arith.addi %add3A_66, %mul3A_65 : i32
      %get3A = arith.index_cast %add3A_67 : i32 to index
      %get3A_68 = tpu.vector_load %arg4[%get3A] {strides = array<i32>} : memref<8192xf32, #tpu.memory_space<vmem>>, vector<16xf32>,
      %max3A = arith.constant -2.000000e+01 : f32
      %max3A_69 = vector.broadcast %max3A : f32 to vector<16xf32>
      %max3A_70 = arith.maximumf %get3A_68, %max3A_69 : vector<16xf32>
      %min3A = arith.constant 2.000000e+01 : f32
      %min3A_71 = vector.broadcast %min3A : f32 to vector<16xf32>
      %min3A_72 = arith.minimumf %max3A_70, %min3A_71 : vector<16xf32>
      %sub3A = arith.constant -2.000000e+01 : f32
      %sub3A_73 = vector.broadcast %sub3A : f32 to vector<16xf32>
      %sub3A_74 = arith.subf %min3A_72, %sub3A_73 : vector<16xf32>
      %div3A = arith.constant 0.157480314 : f32
      %div3A_75 = vector.broadcast %div3A : f32 to vector<16xf32>
      %div3A_76 = arith.divf %sub3A_74, %div3A_75 : vector<16xf32>
      %convert_element_type3A = arith.fptosi %div3A_76 : vector<16xf32> to vector<16xi32>
      %min3A_77 = arith.constant 254 : i32
      %min3A_78 = vector.broadcast %min3A_77 : i32 to vector<16xi32>
      %min3A_79 = arith.minsi %convert_element_type3A, %min3A_78 : vector<16xi32>
      %convert_element_type3A_80 = arith.sitofp %min3A_79 : vector<16xi32> to vector<16xf32>
      %gt3A = arith.cmpf ogt, %div3A_76, %convert_element_type3A_80 : vector<16xf32>
      %add3A_81 = arith.constant 1 : i32
      %add3A_82 = vector.broadcast %add3A_81 : i32 to vector<16xi32>
      %add3A_83 = arith.addi %min3A_79, %add3A_82 : vector<16xi32>
      %select_n3A = arith.select %gt3A, %add3A_83, %min3A_79 : vector<16xi1>, vector<16xi32>
      %min3A_84 = arith.constant 254 : i32
      %min3A_85 = vector.broadcast %min3A_84 : i32 to vector<16xi32>
      %min3A_86 = arith.minsi %select_n3A, %min3A_85 : vector<16xi32>
      %sub3A_87 = arith.subf %div3A_76, %convert_element_type3A_80 : vector<16xf32>
      %sub3A_88 = arith.constant 1.000000e+00 : f32
      %sub3A_89 = vector.broadcast %sub3A_88 : f32 to vector<16xf32>
      %sub3A_90 = arith.subf %sub3A_89, %sub3A_87 : vector<16xf32>
      tpu.vector_store_idx %arg5[%add3A_63, %min3A_79], %sub3A_90 : memref<128x255xf32, #tpu.memory_space<vmem>>[vector<16xi32>, vector<16xi32>], vector<16xf32>,
      tpu.vector_store_idx %arg5[%add3A_63, %min3A_86], %sub3A_87 {add = true} : memref<128x255xf32, #tpu.memory_space<vmem>>[vector<16xi32>, vector<16xi32>], vector<16xf32>,
    }
    %scan3A_16 = arith.constant 8 : i32
    %add3A_17 = arith.constant 0 : i32
    %add3A_18 = arith.addi %mul3A_2, %add3A_17 : i32
    %dma_start3A_19 = arith.constant 0 : i32
    %dma_start3A_20 = tpu.memref_slice %arg3[%add3A_18, %dma_start3A_19] : memref<262144x255xf32, #tpu.memory_space<hbm>> -> memref<128x255xf32, #tpu.memory_space<hbm>>
    %dma_start3A_21 = arith.constant 0 : i32
    %dma_start3A_22 = tpu.memref_slice %arg3[%add3A_18, %dma_start3A_21] : memref<262144x255xf32, #tpu.memory_space<hbm>> -> memref<128x255xf32, #tpu.memory_space<hbm>>
    tpu.enqueue_dma source(%arg5 : memref<128x255xf32, #tpu.memory_space<vmem>>) target(%dma_start3A_22 : memref<128x255xf32, #tpu.memory_space<hbm>>) target_semaphore(%arg7 : memref<!tpu.dma_semaphore, #tpu.memory_space<semaphore_mem>>)
    %scan3A_23 = arith.constant 0 : i32
    %scan3A_24 = arith.constant 0 : i32
    %scan3A_25 = arith.constant 128 : i32
    %scan3A_26 = arith.addi %scan3A_24, %scan3A_25 : i32
    %scan3A_27 = arith.constant 1 : i32
    scf.for %scan3A_59 = %scan3A_24 to %scan3A_26 step %scan3A_27  : i32 {
      %swap3A = arith.index_cast %scan3A_59 : i32 to index
      %swap3A_60 = arith.constant 0 : index
      %swap3A_61 = tpu.vector_load %arg6[%swap3A, %swap3A_60] {strides = array<i32>} : memref<128x255xf32, #tpu.memory_space<vmem>>, vector<16xf32>,
      tpu.vector_store %arg6[%swap3A, %swap3A_60], %broadcast_in_dim3A_4 {strides = array<i32>} : memref<128x255xf32, #tpu.memory_space<vmem>>, vector<16xf32>,
      %swap3A_62 = arith.index_cast %scan3A_59 : i32 to index
      %swap3A_63 = arith.constant 16 : index
      %swap3A_64 = tpu.vector_load %arg6[%swap3A_62, %swap3A_63] {strides = array<i32>} : memref<128x255xf32, #tpu.memory_space<vmem>>, vector<16xf32>,
      tpu.vector_store %arg6[%swap3A_62, %swap3A_63], %broadcast_in_dim3A_4 {strides = array<i32>} : memref<128x255xf32, #tpu.memory_space<vmem>>, vector<16xf32>,
      %swap3A_65 = arith.index_cast %scan3A_59 : i32 to index
      %swap3A_66 = arith.constant 32 : index
      %swap3A_67 = tpu.vector_load %arg6[%swap3A_65, %swap3A_66] {strides = array<i32>} : memref<128x255xf32, #tpu.memory_space<vmem>>, vector<16xf32>,
      tpu.vector_store %arg6[%swap3A_65, %swap3A_66], %broadcast_in_dim3A_4 {strides = array<i32>} : memref<128x255xf32, #tpu.memory_space<vmem>>, vector<16xf32>,
      %swap3A_68 = arith.index_cast %scan3A_59 : i32 to index
      %swap3A_69 = arith.constant 48 : index
      %swap3A_70 = tpu.vector_load %arg6[%swap3A_68, %swap3A_69] {strides = array<i32>} : memref<128x255xf32, #tpu.memory_space<vmem>>, vector<16xf32>,
      tpu.vector_store %arg6[%swap3A_68, %swap3A_69], %broadcast_in_dim3A_4 {strides = array<i32>} : memref<128x255xf32, #tpu.memory_space<vmem>>, vector<16xf32>,
      %swap3A_71 = arith.index_cast %scan3A_59 : i32 to index
      %swap3A_72 = arith.constant 64 : index
      %swap3A_73 = tpu.vector_load %arg6[%swap3A_71, %swap3A_72] {strides = array<i32>} : memref<128x255xf32, #tpu.memory_space<vmem>>, vector<16xf32>,
      tpu.vector_store %arg6[%swap3A_71, %swap3A_72], %broadcast_in_dim3A_4 {strides = array<i32>} : memref<128x255xf32, #tpu.memory_space<vmem>>, vector<16xf32>,
      %swap3A_74 = arith.index_cast %scan3A_59 : i32 to index
      %swap3A_75 = arith.constant 80 : index
      %swap3A_76 = tpu.vector_load %arg6[%swap3A_74, %swap3A_75] {strides = array<i32>} : memref<128x255xf32, #tpu.memory_space<vmem>>, vector<16xf32>,
      tpu.vector_store %arg6[%swap3A_74, %swap3A_75], %broadcast_in_dim3A_4 {strides = array<i32>} : memref<128x255xf32, #tpu.memory_space<vmem>>, vector<16xf32>,
      %swap3A_77 = arith.index_cast %scan3A_59 : i32 to index
      %swap3A_78 = arith.constant 96 : index
      %swap3A_79 = tpu.vector_load %arg6[%swap3A_77, %swap3A_78] {strides = array<i32>} : memref<128x255xf32, #tpu.memory_space<vmem>>, vector<16xf32>,
      tpu.vector_store %arg6[%swap3A_77, %swap3A_78], %broadcast_in_dim3A_4 {strides = array<i32>} : memref<128x255xf32, #tpu.memory_space<vmem>>, vector<16xf32>,
      %swap3A_80 = arith.index_cast %scan3A_59 : i32 to index
      %swap3A_81 = arith.constant 112 : index
      %swap3A_82 = tpu.vector_load %arg6[%swap3A_80, %swap3A_81] {strides = array<i32>} : memref<128x255xf32, #tpu.memory_space<vmem>>, vector<16xf32>,
      tpu.vector_store %arg6[%swap3A_80, %swap3A_81], %broadcast_in_dim3A_4 {strides = array<i32>} : memref<128x255xf32, #tpu.memory_space<vmem>>, vector<16xf32>,
      %swap3A_83 = arith.index_cast %scan3A_59 : i32 to index
      %swap3A_84 = arith.constant 128 : index
      %swap3A_85 = tpu.vector_load %arg6[%swap3A_83, %swap3A_84] {strides = array<i32>} : memref<128x255xf32, #tpu.memory_space<vmem>>, vector<16xf32>,
      tpu.vector_store %arg6[%swap3A_83, %swap3A_84], %broadcast_in_dim3A_4 {strides = array<i32>} : memref<128x255xf32, #tpu.memory_space<vmem>>, vector<16xf32>,
      %swap3A_86 = arith.index_cast %scan3A_59 : i32 to index
      %swap3A_87 = arith.constant 144 : index
      %swap3A_88 = tpu.vector_load %arg6[%swap3A_86, %swap3A_87] {strides = array<i32>} : memref<128x255xf32, #tpu.memory_space<vmem>>, vector<16xf32>,
      tpu.vector_store %arg6[%swap3A_86, %swap3A_87], %broadcast_in_dim3A_4 {strides = array<i32>} : memref<128x255xf32, #tpu.memory_space<vmem>>, vector<16xf32>,
      %swap3A_89 = arith.index_cast %scan3A_59 : i32 to index
      %swap3A_90 = arith.constant 160 : index
      %swap3A_91 = tpu.vector_load %arg6[%swap3A_89, %swap3A_90] {strides = array<i32>} : memref<128x255xf32, #tpu.memory_space<vmem>>, vector<16xf32>,
      tpu.vector_store %arg6[%swap3A_89, %swap3A_90], %broadcast_in_dim3A_4 {strides = array<i32>} : memref<128x255xf32, #tpu.memory_space<vmem>>, vector<16xf32>,
      %swap3A_92 = arith.index_cast %scan3A_59 : i32 to index
      %swap3A_93 = arith.constant 176 : index
      %swap3A_94 = tpu.vector_load %arg6[%swap3A_92, %swap3A_93] {strides = array<i32>} : memref<128x255xf32, #tpu.memory_space<vmem>>, vector<16xf32>,
      tpu.vector_store %arg6[%swap3A_92, %swap3A_93], %broadcast_in_dim3A_4 {strides = array<i32>} : memref<128x255xf32, #tpu.memory_space<vmem>>, vector<16xf32>,
      %swap3A_95 = arith.index_cast %scan3A_59 : i32 to index
      %swap3A_96 = arith.constant 192 : index
      %swap3A_97 = tpu.vector_load %arg6[%swap3A_95, %swap3A_96] {strides = array<i32>} : memref<128x255xf32, #tpu.memory_space<vmem>>, vector<16xf32>,
      tpu.vector_store %arg6[%swap3A_95, %swap3A_96], %broadcast_in_dim3A_4 {strides = array<i32>} : memref<128x255xf32, #tpu.memory_space<vmem>>, vector<16xf32>,
      %swap3A_98 = arith.index_cast %scan3A_59 : i32 to index
      %swap3A_99 = arith.constant 208 : index
      %swap3A_100 = tpu.vector_load %arg6[%swap3A_98, %swap3A_99] {strides = array<i32>} : memref<128x255xf32, #tpu.memory_space<vmem>>, vector<16xf32>,
      tpu.vector_store %arg6[%swap3A_98, %swap3A_99], %broadcast_in_dim3A_4 {strides = array<i32>} : memref<128x255xf32, #tpu.memory_space<vmem>>, vector<16xf32>,
      %swap3A_101 = arith.index_cast %scan3A_59 : i32 to index
      %swap3A_102 = arith.constant 224 : index
      %swap3A_103 = tpu.vector_load %arg6[%swap3A_101, %swap3A_102] {strides = array<i32>} : memref<128x255xf32, #tpu.memory_space<vmem>>, vector<16xf32>,
      tpu.vector_store %arg6[%swap3A_101, %swap3A_102], %broadcast_in_dim3A_4 {strides = array<i32>} : memref<128x255xf32, #tpu.memory_space<vmem>>, vector<16xf32>,
      %swap3A_104 = arith.index_cast %scan3A_59 : i32 to index
      %swap3A_105 = arith.constant 239 : index
      %swap3A_106 = tpu.vector_load %arg6[%swap3A_104, %swap3A_105] {strides = array<i32>} : memref<128x255xf32, #tpu.memory_space<vmem>>, vector<16xf32>,
      tpu.vector_store %arg6[%swap3A_104, %swap3A_105], %broadcast_in_dim3A_4 {strides = array<i32>} : memref<128x255xf32, #tpu.memory_space<vmem>>, vector<16xf32>,
    }
    %scan3A_28 = arith.constant 128 : i32
    %scan3A_29 = arith.constant 0 : i32
    %scan3A_30 = arith.constant 0 : i32
    %scan3A_31 = arith.constant 8 : i32
    %scan3A_32 = arith.addi %scan3A_30, %scan3A_31 : i32
    %scan3A_33 = arith.constant 1 : i32
    scf.for %scan3A_59 = %scan3A_30 to %scan3A_32 step %scan3A_33  : i32 {
      %mul3A_60 = arith.constant 16 : i32
      %mul3A_61 = arith.muli %scan3A_59, %mul3A_60 : i32
      %add3A_62 = vector.broadcast %mul3A_61 : i32 to vector<16xi32>
      %add3A_63 = arith.addi %iota3A, %add3A_62 : vector<16xi32>
      %mul3A_64 = arith.constant 16 : i32
      %mul3A_65 = arith.muli %scan3A_59, %mul3A_64 : i32
      %add3A_66 = arith.constant 128 : i32
      %add3A_67 = arith.addi %add3A_66, %mul3A_65 : i32
      %get3A = arith.index_cast %add3A_67 : i32 to index
      %get3A_68 = tpu.vector_load %arg4[%get3A] {strides = array<i32>} : memref<8192xf32, #tpu.memory_space<vmem>>, vector<16xf32>,
      %max3A = arith.constant -2.000000e+01 : f32
      %max3A_69 = vector.broadcast %max3A : f32 to vector<16xf32>
      %max3A_70 = arith.maximumf %get3A_68, %max3A_69 : vector<16xf32>
      %min3A = arith.constant 2.000000e+01 : f32
      %min3A_71 = vector.broadcast %min3A : f32 to vector<16xf32>
      %min3A_72 = arith.minimumf %max3A_70, %min3A_71 : vector<16xf32>
      %sub3A = arith.constant -2.000000e+01 : f32
      %sub3A_73 = vector.broadcast %sub3A : f32 to vector<16xf32>
      %sub3A_74 = arith.subf %min3A_72, %sub3A_73 : vector<16xf32>
      %div3A = arith.constant 0.157480314 : f32
      %div3A_75 = vector.broadcast %div3A : f32 to vector<16xf32>
      %div3A_76 = arith.divf %sub3A_74, %div3A_75 : vector<16xf32>
      %convert_element_type3A = arith.fptosi %div3A_76 : vector<16xf32> to vector<16xi32>
      %min3A_77 = arith.constant 254 : i32
      %min3A_78 = vector.broadcast %min3A_77 : i32 to vector<16xi32>
      %min3A_79 = arith.minsi %convert_element_type3A, %min3A_78 : vector<16xi32>
      %convert_element_type3A_80 = arith.sitofp %min3A_79 : vector<16xi32> to vector<16xf32>
      %gt3A = arith.cmpf ogt, %div3A_76, %convert_element_type3A_80 : vector<16xf32>
      %add3A_81 = arith.constant 1 : i32
      %add3A_82 = vector.broadcast %add3A_81 : i32 to vector<16xi32>
      %add3A_83 = arith.addi %min3A_79, %add3A_82 : vector<16xi32>
      %select_n3A = arith.select %gt3A, %add3A_83, %min3A_79 : vector<16xi1>, vector<16xi32>
      %min3A_84 = arith.constant 254 : i32
      %min3A_85 = vector.broadcast %min3A_84 : i32 to vector<16xi32>
      %min3A_86 = arith.minsi %select_n3A, %min3A_85 : vector<16xi32>
      %sub3A_87 = arith.subf %div3A_76, %convert_element_type3A_80 : vector<16xf32>
      %sub3A_88 = arith.constant 1.000000e+00 : f32
      %sub3A_89 = vector.broadcast %sub3A_88 : f32 to vector<16xf32>
      %sub3A_90 = arith.subf %sub3A_89, %sub3A_87 : vector<16xf32>
      tpu.vector_store_idx %arg6[%add3A_63, %min3A_79], %sub3A_90 : memref<128x255xf32, #tpu.memory_space<vmem>>[vector<16xi32>, vector<16xi32>], vector<16xf32>,
      tpu.vector_store_idx %arg6[%add3A_63, %min3A_86], %sub3A_87 {add = true} : memref<128x255xf32, #tpu.memory_space<vmem>>[vector<16xi32>, vector<16xi32>], vector<16xf32>,
    }
    %scan3A_34 = arith.constant 8 : i32
    %add3A_35 = arith.constant 128 : i32
    %add3A_36 = arith.addi %mul3A_2, %add3A_35 : i32
    %dma_start3A_37 = arith.constant 0 : i32
    %dma_start3A_38 = tpu.memref_slice %arg3[%add3A_36, %dma_start3A_37] : memref<262144x255xf32, #tpu.memory_space<hbm>> -> memref<128x255xf32, #tpu.memory_space<hbm>>
    %dma_start3A_39 = arith.constant 0 : i32
    %dma_start3A_40 = tpu.memref_slice %arg3[%add3A_36, %dma_start3A_39] : memref<262144x255xf32, #tpu.memory_space<hbm>> -> memref<128x255xf32, #tpu.memory_space<hbm>>
    tpu.enqueue_dma source(%arg6 : memref<128x255xf32, #tpu.memory_space<vmem>>) target(%dma_start3A_40 : memref<128x255xf32, #tpu.memory_space<hbm>>) target_semaphore(%arg8 : memref<!tpu.dma_semaphore, #tpu.memory_space<semaphore_mem>>)
    %scan3A_41 = arith.constant 0 : i32
    %scan3A_42 = arith.constant 1 : i32
    %scan3A_43 = arith.constant 31 : i32
    %scan3A_44 = arith.addi %scan3A_42, %scan3A_43 : i32
    %scan3A_45 = arith.constant 1 : i32
    scf.for %scan3A_59 = %scan3A_42 to %scan3A_44 step %scan3A_45  : i32 {
      %mul3A_60 = arith.constant 2 : i32
      %mul3A_61 = arith.muli %scan3A_59, %mul3A_60 : i32
      %add3A_62 = arith.constant 0 : i32
      %add3A_63 = arith.addi %mul3A_61, %add3A_62 : i32
      %sub3A = arith.constant 2 : i32
      %sub3A_64 = arith.subi %add3A_63, %sub3A : i32
      %mul3A_65 = arith.constant 128 : i32
      %mul3A_66 = arith.muli %sub3A_64, %mul3A_65 : i32
      %add3A_67 = arith.addi %mul3A_2, %mul3A_66 : i32
      %dma_wait3A_68 = arith.constant 0 : i32
      %dma_wait3A_69 = tpu.memref_slice %arg3[%add3A_67, %dma_wait3A_68] : memref<262144x255xf32, #tpu.memory_space<hbm>> -> memref<128x255xf32, #tpu.memory_space<hbm>>
      %dma_wait3A_70 = arith.constant 0 : i32
      %dma_wait3A_71 = tpu.memref_slice %arg3[%add3A_67, %dma_wait3A_70] : memref<262144x255xf32, #tpu.memory_space<hbm>> -> memref<128x255xf32, #tpu.memory_space<hbm>>
      tpu.wait_dma2 semaphore(%arg7 : memref<!tpu.dma_semaphore, #tpu.memory_space<semaphore_mem>>) src(%arg5 : memref<128x255xf32, #tpu.memory_space<vmem>>) dst(%dma_wait3A_71 : memref<128x255xf32, #tpu.memory_space<hbm>>)
      %mul3A_72 = arith.constant 128 : i32
      %mul3A_73 = arith.muli %add3A_63, %mul3A_72 : i32
      %sub3A_74 = arith.constant 2 : i32
      %sub3A_75 = arith.subi %add3A_63, %sub3A_74 : i32
      %mul3A_76 = arith.constant 128 : i32
      %mul3A_77 = arith.muli %sub3A_75, %mul3A_76 : i32
      %scan3A_78 = arith.constant 0 : i32
      %scan3A_79 = arith.constant 0 : i32
      %scan3A_80 = arith.constant 8 : i32
      %scan3A_81 = arith.addi %scan3A_79, %scan3A_80 : i32
      %scan3A_82 = arith.constant 1 : i32
      scf.for %scan3A_123 = %scan3A_79 to %scan3A_81 step %scan3A_82  : i32 {
        %mul3A_124 = arith.constant 16 : i32
        %mul3A_125 = arith.muli %scan3A_123, %mul3A_124 : i32
        %add3A_126 = vector.broadcast %mul3A_125 : i32 to vector<16xi32>
        %add3A_127 = arith.addi %iota3A, %add3A_126 : vector<16xi32>
        %mul3A_128 = arith.constant 16 : i32
        %mul3A_129 = arith.muli %scan3A_123, %mul3A_128 : i32
        %add3A_130 = arith.addi %mul3A_77, %mul3A_129 : i32
        %get3A = arith.index_cast %add3A_130 : i32 to index
        %get3A_131 = tpu.vector_load %arg4[%get3A] {strides = array<i32>} : memref<8192xf32, #tpu.memory_space<vmem>>, vector<16xf32>,
        %max3A = arith.constant -2.000000e+01 : f32
        %max3A_132 = vector.broadcast %max3A : f32 to vector<16xf32>
        %max3A_133 = arith.maximumf %get3A_131, %max3A_132 : vector<16xf32>
        %min3A = arith.constant 2.000000e+01 : f32
        %min3A_134 = vector.broadcast %min3A : f32 to vector<16xf32>
        %min3A_135 = arith.minimumf %max3A_133, %min3A_134 : vector<16xf32>
        %sub3A_136 = arith.constant -2.000000e+01 : f32
        %sub3A_137 = vector.broadcast %sub3A_136 : f32 to vector<16xf32>
        %sub3A_138 = arith.subf %min3A_135, %sub3A_137 : vector<16xf32>
        %div3A = arith.constant 0.157480314 : f32
        %div3A_139 = vector.broadcast %div3A : f32 to vector<16xf32>
        %div3A_140 = arith.divf %sub3A_138, %div3A_139 : vector<16xf32>
        %convert_element_type3A = arith.fptosi %div3A_140 : vector<16xf32> to vector<16xi32>
        %min3A_141 = arith.constant 254 : i32
        %min3A_142 = vector.broadcast %min3A_141 : i32 to vector<16xi32>
        %min3A_143 = arith.minsi %convert_element_type3A, %min3A_142 : vector<16xi32>
        %convert_element_type3A_144 = arith.sitofp %min3A_143 : vector<16xi32> to vector<16xf32>
        %gt3A = arith.cmpf ogt, %div3A_140, %convert_element_type3A_144 : vector<16xf32>
        %add3A_145 = arith.constant 1 : i32
        %add3A_146 = vector.broadcast %add3A_145 : i32 to vector<16xi32>
        %add3A_147 = arith.addi %min3A_143, %add3A_146 : vector<16xi32>
        %select_n3A = arith.select %gt3A, %add3A_147, %min3A_143 : vector<16xi1>, vector<16xi32>
        %min3A_148 = arith.constant 254 : i32
        %min3A_149 = vector.broadcast %min3A_148 : i32 to vector<16xi32>
        %min3A_150 = arith.minsi %select_n3A, %min3A_149 : vector<16xi32>
        %sub3A_151 = arith.subf %div3A_140, %convert_element_type3A_144 : vector<16xf32>
        tpu.vector_store_idx %arg5[%add3A_127, %min3A_143], %broadcast_in_dim3A_4 : memref<128x255xf32, #tpu.memory_space<vmem>>[vector<16xi32>, vector<16xi32>], vector<16xf32>,
        tpu.vector_store_idx %arg5[%add3A_127, %min3A_150], %broadcast_in_dim3A_4 : memref<128x255xf32, #tpu.memory_space<vmem>>[vector<16xi32>, vector<16xi32>], vector<16xf32>,
        %mul3A_152 = arith.constant 16 : i32
        %mul3A_153 = arith.muli %scan3A_123, %mul3A_152 : i32
        %add3A_154 = arith.addi %mul3A_73, %mul3A_153 : i32
        %get3A_155 = arith.index_cast %add3A_154 : i32 to index
        %get3A_156 = tpu.vector_load %arg4[%get3A_155] {strides = array<i32>} : memref<8192xf32, #tpu.memory_space<vmem>>, vector<16xf32>,
        %max3A_157 = arith.constant -2.000000e+01 : f32
        %max3A_158 = vector.broadcast %max3A_157 : f32 to vector<16xf32>
        %max3A_159 = arith.maximumf %get3A_156, %max3A_158 : vector<16xf32>
        %min3A_160 = arith.constant 2.000000e+01 : f32
        %min3A_161 = vector.broadcast %min3A_160 : f32 to vector<16xf32>
        %min3A_162 = arith.minimumf %max3A_159, %min3A_161 : vector<16xf32>
        %sub3A_163 = arith.constant -2.000000e+01 : f32
        %sub3A_164 = vector.broadcast %sub3A_163 : f32 to vector<16xf32>
        %sub3A_165 = arith.subf %min3A_162, %sub3A_164 : vector<16xf32>
        %div3A_166 = arith.constant 0.157480314 : f32
        %div3A_167 = vector.broadcast %div3A_166 : f32 to vector<16xf32>
        %div3A_168 = arith.divf %sub3A_165, %div3A_167 : vector<16xf32>
        %convert_element_type3A_169 = arith.fptosi %div3A_168 : vector<16xf32> to vector<16xi32>
        %min3A_170 = arith.constant 254 : i32
        %min3A_171 = vector.broadcast %min3A_170 : i32 to vector<16xi32>
        %min3A_172 = arith.minsi %convert_element_type3A_169, %min3A_171 : vector<16xi32>
        %convert_element_type3A_173 = arith.sitofp %min3A_172 : vector<16xi32> to vector<16xf32>
        %gt3A_174 = arith.cmpf ogt, %div3A_168, %convert_element_type3A_173 : vector<16xf32>
        %add3A_175 = arith.constant 1 : i32
        %add3A_176 = vector.broadcast %add3A_175 : i32 to vector<16xi32>
        %add3A_177 = arith.addi %min3A_172, %add3A_176 : vector<16xi32>
        %select_n3A_178 = arith.select %gt3A_174, %add3A_177, %min3A_172 : vector<16xi1>, vector<16xi32>
        %min3A_179 = arith.constant 254 : i32
        %min3A_180 = vector.broadcast %min3A_179 : i32 to vector<16xi32>
        %min3A_181 = arith.minsi %select_n3A_178, %min3A_180 : vector<16xi32>
        %sub3A_182 = arith.subf %div3A_168, %convert_element_type3A_173 : vector<16xf32>
        %sub3A_183 = arith.constant 1.000000e+00 : f32
        %sub3A_184 = vector.broadcast %sub3A_183 : f32 to vector<16xf32>
        %sub3A_185 = arith.subf %sub3A_184, %sub3A_182 : vector<16xf32>
        tpu.vector_store_idx %arg5[%add3A_127, %min3A_172], %sub3A_185 : memref<128x255xf32, #tpu.memory_space<vmem>>[vector<16xi32>, vector<16xi32>], vector<16xf32>,
        tpu.vector_store_idx %arg5[%add3A_127, %min3A_181], %sub3A_182 {add = true} : memref<128x255xf32, #tpu.memory_space<vmem>>[vector<16xi32>, vector<16xi32>], vector<16xf32>,
      }
      %scan3A_83 = arith.constant 8 : i32
      %mul3A_84 = arith.constant 128 : i32
      %mul3A_85 = arith.muli %add3A_63, %mul3A_84 : i32
      %add3A_86 = arith.addi %mul3A_2, %mul3A_85 : i32
      %dma_start3A_87 = arith.constant 0 : i32
      %dma_start3A_88 = tpu.memref_slice %arg3[%add3A_86, %dma_start3A_87] : memref<262144x255xf32, #tpu.memory_space<hbm>> -> memref<128x255xf32, #tpu.memory_space<hbm>>
      %dma_start3A_89 = arith.constant 0 : i32
      %dma_start3A_90 = tpu.memref_slice %arg3[%add3A_86, %dma_start3A_89] : memref<262144x255xf32, #tpu.memory_space<hbm>> -> memref<128x255xf32, #tpu.memory_space<hbm>>
      tpu.enqueue_dma source(%arg5 : memref<128x255xf32, #tpu.memory_space<vmem>>) target(%dma_start3A_90 : memref<128x255xf32, #tpu.memory_space<hbm>>) target_semaphore(%arg7 : memref<!tpu.dma_semaphore, #tpu.memory_space<semaphore_mem>>)
      %mul3A_91 = arith.constant 2 : i32
      %mul3A_92 = arith.muli %scan3A_59, %mul3A_91 : i32
      %add3A_93 = arith.constant 1 : i32
      %add3A_94 = arith.addi %mul3A_92, %add3A_93 : i32
      %sub3A_95 = arith.constant 2 : i32
      %sub3A_96 = arith.subi %add3A_94, %sub3A_95 : i32
      %mul3A_97 = arith.constant 128 : i32
      %mul3A_98 = arith.muli %sub3A_96, %mul3A_97 : i32
      %add3A_99 = arith.addi %mul3A_2, %mul3A_98 : i32
      %dma_wait3A_100 = arith.constant 0 : i32
      %dma_wait3A_101 = tpu.memref_slice %arg3[%add3A_99, %dma_wait3A_100] : memref<262144x255xf32, #tpu.memory_space<hbm>> -> memref<128x255xf32, #tpu.memory_space<hbm>>
      %dma_wait3A_102 = arith.constant 0 : i32
      %dma_wait3A_103 = tpu.memref_slice %arg3[%add3A_99, %dma_wait3A_102] : memref<262144x255xf32, #tpu.memory_space<hbm>> -> memref<128x255xf32, #tpu.memory_space<hbm>>
      tpu.wait_dma2 semaphore(%arg8 : memref<!tpu.dma_semaphore, #tpu.memory_space<semaphore_mem>>) src(%arg6 : memref<128x255xf32, #tpu.memory_space<vmem>>) dst(%dma_wait3A_103 : memref<128x255xf32, #tpu.memory_space<hbm>>)
      %mul3A_104 = arith.constant 128 : i32
      %mul3A_105 = arith.muli %add3A_94, %mul3A_104 : i32
      %sub3A_106 = arith.constant 2 : i32
      %sub3A_107 = arith.subi %add3A_94, %sub3A_106 : i32
      %mul3A_108 = arith.constant 128 : i32
      %mul3A_109 = arith.muli %sub3A_107, %mul3A_108 : i32
      %scan3A_110 = arith.constant 0 : i32
      %scan3A_111 = arith.constant 0 : i32
      %scan3A_112 = arith.constant 8 : i32
      %scan3A_113 = arith.addi %scan3A_111, %scan3A_112 : i32
      %scan3A_114 = arith.constant 1 : i32
      scf.for %scan3A_123 = %scan3A_111 to %scan3A_113 step %scan3A_114  : i32 {
        %mul3A_124 = arith.constant 16 : i32
        %mul3A_125 = arith.muli %scan3A_123, %mul3A_124 : i32
        %add3A_126 = vector.broadcast %mul3A_125 : i32 to vector<16xi32>
        %add3A_127 = arith.addi %iota3A, %add3A_126 : vector<16xi32>
        %mul3A_128 = arith.constant 16 : i32
        %mul3A_129 = arith.muli %scan3A_123, %mul3A_128 : i32
        %add3A_130 = arith.addi %mul3A_109, %mul3A_129 : i32
        %get3A = arith.index_cast %add3A_130 : i32 to index
        %get3A_131 = tpu.vector_load %arg4[%get3A] {strides = array<i32>} : memref<8192xf32, #tpu.memory_space<vmem>>, vector<16xf32>,
        %max3A = arith.constant -2.000000e+01 : f32
        %max3A_132 = vector.broadcast %max3A : f32 to vector<16xf32>
        %max3A_133 = arith.maximumf %get3A_131, %max3A_132 : vector<16xf32>
        %min3A = arith.constant 2.000000e+01 : f32
        %min3A_134 = vector.broadcast %min3A : f32 to vector<16xf32>
        %min3A_135 = arith.minimumf %max3A_133, %min3A_134 : vector<16xf32>
        %sub3A_136 = arith.constant -2.000000e+01 : f32
        %sub3A_137 = vector.broadcast %sub3A_136 : f32 to vector<16xf32>
        %sub3A_138 = arith.subf %min3A_135, %sub3A_137 : vector<16xf32>
        %div3A = arith.constant 0.157480314 : f32
        %div3A_139 = vector.broadcast %div3A : f32 to vector<16xf32>
        %div3A_140 = arith.divf %sub3A_138, %div3A_139 : vector<16xf32>
        %convert_element_type3A = arith.fptosi %div3A_140 : vector<16xf32> to vector<16xi32>
        %min3A_141 = arith.constant 254 : i32
        %min3A_142 = vector.broadcast %min3A_141 : i32 to vector<16xi32>
        %min3A_143 = arith.minsi %convert_element_type3A, %min3A_142 : vector<16xi32>
        %convert_element_type3A_144 = arith.sitofp %min3A_143 : vector<16xi32> to vector<16xf32>
        %gt3A = arith.cmpf ogt, %div3A_140, %convert_element_type3A_144 : vector<16xf32>
        %add3A_145 = arith.constant 1 : i32
        %add3A_146 = vector.broadcast %add3A_145 : i32 to vector<16xi32>
        %add3A_147 = arith.addi %min3A_143, %add3A_146 : vector<16xi32>
        %select_n3A = arith.select %gt3A, %add3A_147, %min3A_143 : vector<16xi1>, vector<16xi32>
        %min3A_148 = arith.constant 254 : i32
        %min3A_149 = vector.broadcast %min3A_148 : i32 to vector<16xi32>
        %min3A_150 = arith.minsi %select_n3A, %min3A_149 : vector<16xi32>
        %sub3A_151 = arith.subf %div3A_140, %convert_element_type3A_144 : vector<16xf32>
        tpu.vector_store_idx %arg6[%add3A_127, %min3A_143], %broadcast_in_dim3A_4 : memref<128x255xf32, #tpu.memory_space<vmem>>[vector<16xi32>, vector<16xi32>], vector<16xf32>,
        tpu.vector_store_idx %arg6[%add3A_127, %min3A_150], %broadcast_in_dim3A_4 : memref<128x255xf32, #tpu.memory_space<vmem>>[vector<16xi32>, vector<16xi32>], vector<16xf32>,
        %mul3A_152 = arith.constant 16 : i32
        %mul3A_153 = arith.muli %scan3A_123, %mul3A_152 : i32
        %add3A_154 = arith.addi %mul3A_105, %mul3A_153 : i32
        %get3A_155 = arith.index_cast %add3A_154 : i32 to index
        %get3A_156 = tpu.vector_load %arg4[%get3A_155] {strides = array<i32>} : memref<8192xf32, #tpu.memory_space<vmem>>, vector<16xf32>,
        %max3A_157 = arith.constant -2.000000e+01 : f32
        %max3A_158 = vector.broadcast %max3A_157 : f32 to vector<16xf32>
        %max3A_159 = arith.maximumf %get3A_156, %max3A_158 : vector<16xf32>
        %min3A_160 = arith.constant 2.000000e+01 : f32
        %min3A_161 = vector.broadcast %min3A_160 : f32 to vector<16xf32>
        %min3A_162 = arith.minimumf %max3A_159, %min3A_161 : vector<16xf32>
        %sub3A_163 = arith.constant -2.000000e+01 : f32
        %sub3A_164 = vector.broadcast %sub3A_163 : f32 to vector<16xf32>
        %sub3A_165 = arith.subf %min3A_162, %sub3A_164 : vector<16xf32>
        %div3A_166 = arith.constant 0.157480314 : f32
        %div3A_167 = vector.broadcast %div3A_166 : f32 to vector<16xf32>
        %div3A_168 = arith.divf %sub3A_165, %div3A_167 : vector<16xf32>
        %convert_element_type3A_169 = arith.fptosi %div3A_168 : vector<16xf32> to vector<16xi32>
        %min3A_170 = arith.constant 254 : i32
        %min3A_171 = vector.broadcast %min3A_170 : i32 to vector<16xi32>
        %min3A_172 = arith.minsi %convert_element_type3A_169, %min3A_171 : vector<16xi32>
        %convert_element_type3A_173 = arith.sitofp %min3A_172 : vector<16xi32> to vector<16xf32>
        %gt3A_174 = arith.cmpf ogt, %div3A_168, %convert_element_type3A_173 : vector<16xf32>
        %add3A_175 = arith.constant 1 : i32
        %add3A_176 = vector.broadcast %add3A_175 : i32 to vector<16xi32>
        %add3A_177 = arith.addi %min3A_172, %add3A_176 : vector<16xi32>
        %select_n3A_178 = arith.select %gt3A_174, %add3A_177, %min3A_172 : vector<16xi1>, vector<16xi32>
        %min3A_179 = arith.constant 254 : i32
        %min3A_180 = vector.broadcast %min3A_179 : i32 to vector<16xi32>
        %min3A_181 = arith.minsi %select_n3A_178, %min3A_180 : vector<16xi32>
        %sub3A_182 = arith.subf %div3A_168, %convert_element_type3A_173 : vector<16xf32>
        %sub3A_183 = arith.constant 1.000000e+00 : f32
        %sub3A_184 = vector.broadcast %sub3A_183 : f32 to vector<16xf32>
        %sub3A_185 = arith.subf %sub3A_184, %sub3A_182 : vector<16xf32>
        tpu.vector_store_idx %arg6[%add3A_127, %min3A_172], %sub3A_185 : memref<128x255xf32, #tpu.memory_space<vmem>>[vector<16xi32>, vector<16xi32>], vector<16xf32>,
        tpu.vector_store_idx %arg6[%add3A_127, %min3A_181], %sub3A_182 {add = true} : memref<128x255xf32, #tpu.memory_space<vmem>>[vector<16xi32>, vector<16xi32>], vector<16xf32>,
      }
      %scan3A_115 = arith.constant 8 : i32
      %mul3A_116 = arith.constant 128 : i32
      %mul3A_117 = arith.muli %add3A_94, %mul3A_116 : i32
      %add3A_118 = arith.addi %mul3A_2, %mul3A_117 : i32
      %dma_start3A_119 = arith.constant 0 : i32
      %dma_start3A_120 = tpu.memref_slice %arg3[%add3A_118, %dma_start3A_119] : memref<262144x255xf32, #tpu.memory_space<hbm>> -> memref<128x255xf32, #tpu.memory_space<hbm>>
      %dma_start3A_121 = arith.constant 0 : i32
      %dma_start3A_122 = tpu.memref_slice %arg3[%add3A_118, %dma_start3A_121] : memref<262144x255xf32, #tpu.memory_space<hbm>> -> memref<128x255xf32, #tpu.memory_space<hbm>>
      tpu.enqueue_dma source(%arg6 : memref<128x255xf32, #tpu.memory_space<vmem>>) target(%dma_start3A_122 : memref<128x255xf32, #tpu.memory_space<hbm>>) target_semaphore(%arg8 : memref<!tpu.dma_semaphore, #tpu.memory_space<semaphore_mem>>)
    }
    %scan3A_46 = arith.constant 31 : i32
    %add3A_47 = arith.constant 7936 : i32
    %add3A_48 = arith.addi %mul3A_2, %add3A_47 : i32
    %dma_wait3A_49 = arith.constant 0 : i32
    %dma_wait3A_50 = tpu.memref_slice %arg3[%add3A_48, %dma_wait3A_49] : memref<262144x255xf32, #tpu.memory_space<hbm>> -> memref<128x255xf32, #tpu.memory_space<hbm>>
    %dma_wait3A_51 = arith.constant 0 : i32
    %dma_wait3A_52 = tpu.memref_slice %arg3[%add3A_48, %dma_wait3A_51] : memref<262144x255xf32, #tpu.memory_space<hbm>> -> memref<128x255xf32, #tpu.memory_space<hbm>>
    tpu.wait_dma2 semaphore(%arg7 : memref<!tpu.dma_semaphore, #tpu.memory_space<semaphore_mem>>) src(%arg5 : memref<128x255xf32, #tpu.memory_space<vmem>>) dst(%dma_wait3A_52 : memref<128x255xf32, #tpu.memory_space<hbm>>)
    %add3A_53 = arith.constant 8064 : i32
    %add3A_54 = arith.addi %mul3A_2, %add3A_53 : i32
    %dma_wait3A_55 = arith.constant 0 : i32
    %dma_wait3A_56 = tpu.memref_slice %arg3[%add3A_54, %dma_wait3A_55] : memref<262144x255xf32, #tpu.memory_space<hbm>> -> memref<128x255xf32, #tpu.memory_space<hbm>>
    %dma_wait3A_57 = arith.constant 0 : i32
    %dma_wait3A_58 = tpu.memref_slice %arg3[%add3A_54, %dma_wait3A_57] : memref<262144x255xf32, #tpu.memory_space<hbm>> -> memref<128x255xf32, #tpu.memory_space<hbm>>
    tpu.wait_dma2 semaphore(%arg8 : memref<!tpu.dma_semaphore, #tpu.memory_space<semaphore_mem>>) src(%arg6 : memref<128x255xf32, #tpu.memory_space<vmem>>) dst(%dma_wait3A_58 : memref<128x255xf32, #tpu.memory_space<hbm>>)
    return
  }
}

</mosaic_0001>

<sc_bundles>
// kernel: kernel.3.cloned.1.call-start
scs
__scs_entry_jumppad:
0x0: {  	(pc) =	sbr.rel $0x88, $3  }
0x1: {  	(tag) =	ssettag $0x0;
	lr =	simm.s32 $0x1  }
0x2: {  	[smem:$0x3FA0] =	sst lr;
	_ =	strace $0xD0000000  }
0x3: {  	_ = 	snop  }
0x4: {  	_ = 	snop  }
0x5: {  	_ = 	snop  }
0x6: {  	_ = 	snop  }
0x7: {  	_ = 	snop  }
__scs_overlays_trampoline_lowered:
0x8: {  	[smem:$0x3FAF] =	sst s0  }
0x9: {  	[smem:$0x3FB0] =	sst s1  }
0xa: {  	[smem:$0x3FB1] =	sst s2  }
0xb: {  	[smem:$0x3FB2] =	sst s3  }
0xc: {  	[smem:$0x3FB3] =	sst s4  }
0xd: {  	[smem:$0x3FB4] =	sst s5  }
0xe: {  	[smem:$0x3FB5] =	sst s6  }
0xf: {  	[smem:$0x3FB6] =	sst s7  }
0x10: {  	[smem:$0x3FB7] =	sst s8  }
0x11: {  	[smem:$0x3FB8] =	sst s9;
	s0 =	simm.s32 @!p0 $0x0  }
0x12: {  	s1 =	sld [smem:$0x3F9E];
	s0 =	simm.s32 @p0 $0x1  }
0x13: {  	[smem:$0x3FB9] =	sst s0;
	s0 =	simm.s32 @!p1 $0x0  }
0x14: {  	s2 =	sld [smem:$0x3F9D];
	s0 =	simm.s32 @p1 $0x1  }
0x15: {  	[smem:$0x3FBA] =	sst s0;
	s0 =	simm.s32 @!p2 $0x0  }
0x16: {  	s3 =	sld [smem:$0x3FDB];
	s0 =	simm.s32 @p2 $0x1  }
0x17: {  	s4 =	simm.s32 $0x1BF5;
	[smem:$0x3FBC] =	sst s0  }
0x18: {  	s0 =	sld [smem:$0x3F9F];
	_ =	swait.ge [sflag:s4], $0x0  }
0x19: {  	s7 =	sld [smem:$0x3FA0]  }
0x1a: {  	s8 =	sadd.s32 $0xFFFFE003, lr  }
0x1b: {  	s9 =	sadd.s32 $0xFFFFFEF7, lr;
	s5 =	simm.s32 $0xFFFFFFFF;
	p2 =	slt.u32 s8, $0xFFFFF086  }
0x1c: {  	p1 =	slt.u32 s9, $0xF7A;
	s5 =	simm.s32 @!p2 $0x0  }
0x1d: {  	s5 =	simm.s32 @p1 $0x1;
	p0 =	seq.s32 s7, s2  }
0x1e: {  	s7 =	smul.u32 @!p0 $0xF7A, s2;
	p2 =	seq.s32 @!p0 s5, $0x0  }
0x1f: {  	s9 =	smul.u32 $0xF7A, s1;
	s8 =	simm.s32 @!p0 $0x1BF5;
	p2 =	por !p2, p0  }
0x20: {  	[sflag:s8] =	ssyncset.s32 @!p0 $0xFFFFF086;
	s6 =	sadd.s32 @!p0 s3, s7;
	s7 =	simm.s32 @!p0 $0x108  }
0x21: {  	s3 =	sadd.s32 s3, s9;
	s6 =	sadd.s32 @!p0 $0x88, s6;
	s7 =	simm.s32 @p2 $0x1082  }
0x22: {  	[simem:s7], [sflag:s8] =	dma.local @!p0 [hbm:s6], $0xF7A  }
0x23: {  	s9 =	sor.u32 $0xD0000000, s2;
	s6 =	simm.s32 $0x108;
	_ =	swait.ge @!p0 [sflag:s8], $0x0  }
0x24: {  	s3 =	sadd.s32 $0x88, s3;
	s6 =	simm.s32 @!p1 $0x1082;
	[sflag:s4] =	ssyncset.s32 $0xFFFFF086  }
0x25: {  	[simem:s6], [sflag:s4] =	dma.local [hbm:s3], $0xF7A  }
0x26: {  	[smem:$0x3FA0] =	sst s1;
	(tag) =	ssettag s2;
	_ =	strace s9  }
0x27: {  	s1 =	sld [smem:$0x3FB0]  }
0x28: {  	s2 =	sld [smem:$0x3FB1]  }
0x29: {  	s4 =	sld [smem:$0x3FB3]  }
0x2a: {  	p0 =	seq.s32 s5, $0x0;
	s5 =	sld [smem:$0x3FB4]  }
0x2b: {  	s6 =	sld [smem:$0x3FB5]  }
0x2c: {  	s7 =	sld [smem:$0x3FB6]  }
0x2d: {  	s3 =	simm.s32 $0x108;
	s8 =	sld [smem:$0x3FB7]  }
0x2e: {  	s3 =	simm.s32 @!p0 $0x1082;
	s9 =	sld [smem:$0x3FB8]  }
0x2f: {  	lr =	sadd.s32 s0, s3;
	s0 =	sld [smem:$0x3FAF]  }
0x30: {  	s3 =	sld [smem:$0x3FB2]  }
0x31: {  	[smem:$0x3FBB] =	sst s10  }
0x32: {  	s10 =	sld [smem:$0x3FB9];
	_ =	sdelay $0x3  }
0x33: {  	p0 =	seq.s32 s10, $0x1;
	s10 =	sld [smem:$0x3FBB];
	_ =	sdelay $0x3  }
0x34: {  	[smem:$0x3FBB] =	sst s10  }
0x35: {  	s10 =	sld [smem:$0x3FBA];
	_ =	sdelay $0x3  }
0x36: {  	p1 =	seq.s32 s10, $0x1;
	s10 =	sld [smem:$0x3FBB];
	_ =	sdelay $0x3  }
0x37: {  	[smem:$0x3FBB] =	sst s10  }
0x38: {  	s10 =	sld [smem:$0x3FBC]  }
0x39: {  	_ = 	snop;
	(pc) =	sbr.ind lr, $3  }
0x3a: {  	_ = 	snop  }
0x3b: {  	_ = 	snop  }
0x3c: {  	p2 =	seq.s32 s10, $0x1;
	s10 =	sld [smem:$0x3FBB]  }
0x3d: {  	_ =	shalt  }
0x3e: {  	_ =	shalt  }
0x3f: {  	_ =	shalt  }
0x40: {  	_ =	shalt  }
0x41: {  	_ =	shalt  }
0x42: {  	_ =	shalt  }
0x43: {  	_ =	shalt  }
0x44: {  	_ =	shalt  }
0x45: {  	_ =	shalt  }
0x46: {  	_ =	shalt  }
0x47: {  	_ =	shalt  }
0x48: {  	_ =	shalt  }
0x49: {  	_ =	shalt  }
0x4a: {  	_ =	shalt  }
0x4b: {  	_ =	shalt  }
0x4c: {  	_ =	shalt  }
0x4d: {  	_ =	shalt  }
0x4e: {  	_ =	shalt  }
0x4f: {  	_ =	shalt  }
0x50: {  	_ =	shalt  }
0x51: {  	_ =	shalt  }
0x52: {  	_ =	shalt  }
0x53: {  	_ =	shalt  }
0x54: {  	_ =	shalt  }
0x55: {  	_ =	shalt  }
0x56: {  	_ =	shalt  }
0x57: {  	_ =	shalt  }
0x58: {  	_ =	shalt  }
0x59: {  	_ =	shalt  }
0x5a: {  	_ =	shalt  }
0x5b: {  	_ =	shalt  }
0x5c: {  	_ =	shalt  }
0x5d: {  	_ =	shalt  }
0x5e: {  	_ =	shalt  }
0x5f: {  	_ =	shalt  }
0x60: {  	_ =	shalt  }
0x61: {  	_ =	shalt  }
0x62: {  	_ =	shalt  }
0x63: {  	_ =	shalt  }
0x64: {  	_ =	shalt  }
0x65: {  	_ =	shalt  }
0x66: {  	_ =	shalt  }
0x67: {  	_ =	shalt  }
0x68: {  	_ =	shalt  }
0x69: {  	_ =	shalt  }
0x6a: {  	_ =	shalt  }
0x6b: {  	_ =	shalt  }
0x6c: {  	_ =	shalt  }
0x6d: {  	_ =	shalt  }
0x6e: {  	_ =	shalt  }
0x6f: {  	_ =	shalt  }
0x70: {  	_ =	shalt  }
0x71: {  	_ =	shalt  }
0x72: {  	_ =	shalt  }
0x73: {  	_ =	shalt  }
0x74: {  	_ =	shalt  }
0x75: {  	_ =	shalt  }
0x76: {  	_ =	shalt  }
0x77: {  	_ =	shalt  }
0x78: {  	_ =	shalt  }
0x79: {  	_ =	shalt  }
0x7a: {  	_ =	shalt  }
0x7b: {  	_ =	shalt  }
0x7c: {  	_ =	shalt  }
0x7d: {  	_ =	shalt  }
0x7e: {  	_ =	shalt  }
0x7f: {  	_ =	shalt  }
0x80: {  	_ =	shalt  }
0x81: {  	_ =	shalt  }
0x82: {  	_ =	shalt  }
0x83: {  	_ =	shalt  }
0x84: {  	_ =	shalt  }
0x85: {  	_ =	shalt  }
0x86: {  	_ =	shalt  }
0x87: {  	_ =	shalt  }
.Lfunc_end0:
.L_simem_size_0:
called_computation_lowered:
.L_overlay_start_0:
0x88: {  	s2 =	sld [smem:$0x3FD9]  }
0x89: {  	s3 =	sld [smem:$0x3FFE];
	_ =	sdelay $0x1  }
0x8a: {  	s1 =	srdreg.scid  }
0x8b: {  	s0 =	sand.u32 $0x1, s1  }
0x8c: {  	s18 =	sshll.u32 s0, $0xA;
	s2 =	sadd.s32 s3, s2  }
0x8d: {  	s2 =	sadd.s32 s2, s18  }
0x8e: {  	[smem:$0x3FC7] =	sst s2  }
0x8f: {  	_ = 	snop  }
0x90: {  	s2 =	sld [smem:$0x3FC9]  }
0x91: {  	s19 =	sld [smem:$0x3FD0];
	(tm) =	ssettm $0x1  }
0x92: {  	s4 =	sld [smem:$0x3FFB];
	_ =	sdelay $0x3  }
0x93: {  	_ =	strace s4  }
0x94: {  	s4 =	sld [smem:$0x3FFC];
	_ =	sdelay $0x3  }
0x95: {  	_ =	strace s4  }
0x96: {  	s4 =	sld [smem:$0x3FFD];
	_ =	sdelay $0x3  }
0x97: {  	_ =	strace s4  }
0x98: {  	_ =	strace $0x8FFFFFFF  }
0x99: {  	s20 =	sld [smem:$0x3FDB];
	_ =	sdelay $0x1  }
0x9a: {  	s5 =	simm.s32 $_scs_section_size  }
0x9b: {  	s6 =	simm.s32 $_size__tile_overlayer_lowered;
	s7 =	simm.s32 $_tile_overlayer_lowered  }
0x9c: {  	s23 =	simm.s32 $0x1BFF;
	s22 =	sshll.u32 s7, $0x1;
	s4 =	sadd.s32 s5, s20  }
0x9d: {  	s8 =	simm.s32 $0x0;
	s21 =	sshll.u32 s6, $0x1;
	s6 =	sadd.s32 s22, s4  }
0x9e: {  	[timem:s8], [sflag:s23] =	dma.local [hbm:s6], s21  }
0x9f: {  	_ =	swait.ge [sflag:s23], s21  }
0xa0: {  	s5 =	ssub.s32 $0x0, s21;
	[sflag:s23] =	ssyncset.done $0x0  }
0xa1: {  	[sflag:s23] =	ssyncadd.s32 s5;
	_ =	sdelay $0x1  }
0xa2: {  	s24 =	simm.s32 $0x1B8B  }
0xa3: {  	_ =	swait.ge [sflag:s24], $0x1  }
0xa4: {  	[sflag:s24] =	ssyncset.done $0x0  }
0xa5: {  	s25 =	simm.s32 $0x1B8E;
	[sflag:s24] =	ssyncadd.s32 $0xFFFFFFFF  }
0xa6: {  	s26 =	simm.s32 $execute0_lowered;
	[smem:$0x3FD2] =	sst s25  }
0xa7: {  	s5 =	sshll.u32 s26, $0x1;
	_ =	strace $0x80000046;
	[dreg:$0x1] =	wrdreg $0xFFFFFFFF  }
0xa8: {  	s28 =	simm.s32 $_size_execute0_lowered;
	s4 =	sadd.s32 s4, s5;
	[dreg:$0x0] =	wrdreg $0x0  }
0xa9: {  	s5 =	sshll.u32 s28, $0x1;
	[dreg:$0x2] =	wrdreg s4  }
0xaa: {  	[dreg:$0x3] =	wrdreg s5  }
0xab: {  	[dreg:$0x4] =	wrdreg $0xC0  }
0xac: {  	_ =	task [dreg:s8], $0x5FFFF  }
0xad: {  	[dreg:$0x1] =	wrdreg $0xFFFFFFFF  }
0xae: {  	[dreg:$0x0] =	wrdreg $0x60  }
0xaf: {  	[dreg:$0x2] =	wrdreg s2  }
0xb0: {  	[dreg:$0x3] =	wrdreg s19  }
0xb1: {  	[dreg:$0x4] =	wrdreg $0x9  }
0xb2: {  	_ =	task.clear_ibuf [dreg:s8], $0x5FFFF;
	_ =	strace $0x90000046  }
0xb3: {  	s29 =	simm.s32 $0x9;
	_ =	strace $0x80000048  }
0xb4: {  	_ =	swait.ge [sflag:s29], $0x1  }
0xb5: {  	[sflag:s29] =	ssyncadd.s32 $0xFFFFFFFF  }
0xb6: {  	_ =	strace $0x90000048  }
0xb7: {  	_ =	sfence  }
0xb8: {  	s30 =	sld [smem:$0x0];
	_ =	sdelay $0x2  }
0xb9: {  	s31 =	sshll.u32 s1, $0xD;
	s1 =	sshrl.u32 s1, $0x2  }
0xba: {  	s3 =	sand.u32 $0x4000, s31;
	s1 =	sadd.s32 s1, s30  }
0xbb: {  	s0 =	sor.u32 s3, s0;
	s1 =	sshll.u32 s1, $0x11  }
0xbc: {  	s0 =	sor.u32 s1, s0  }
0xbd: {  	s0 =	sadd.s32 $0x8F2B, s0  }
0xbe: {  	[sflag:s0] =	ssyncadd.remote.s32 $0x1  }
0xbf: {  	_ =	sfence.sel $0xFFFF  }
0xc0: {  	[dreg:$0x0] =	wrdreg $0xFFFFFFFF;
	(pc) =	sbr.abs _section_cstart, $3  }
0xc1: {  	[dreg:$0x1] =	wrdreg $0xFFFFFFFF  }
0xc2: {  	_ =	task.clear_ibuf [dreg:s8], $0x2FFFF;
	_ =	strace $0x9FFFFFFF  }
0xc3: {  	(tm) =	ssettm $0x7FFFFFFF  }
tec
execute0_lowered:
.L_overlay_start_1:
0x0: {  	(tag) =	ssettag $0x1  }
0x1: {  	s6 =	rddreg [dreg:$0x0]  }
0x2: {  	s1 =	rddreg [dreg:$0x1];
	s2 =	simm.s32 $0x0  }
0x3: {  	[smem:$0x7FF] =	sst s2  }
0x4: {  	s0 =	rddreg [dreg:$0x2];
	v0 =	vimm.f32 $1.574803140e-01;
	_ =	strace $0x80000047  }
0x5: {  	(erf) = vrcp.f32 v0;
	_ =	sdelay $0x2  }
0x6: {  	s4 =	srdreg.scid;
	s3 =	stileid.u32;
	s10 =	simm.s32 $0x2000  }
0x7: {  	s11 =	simm.s32 $0xA000;
	s12 =	simm.s32 $0x1;
	s4 =	sand.u32 $0x1, s4  }
0x8: {  	s13 =	simm.s32 $0x2;
	s5 =	sshll.u32 s3, $0xE;
	s7 =	sshll.u32 s4, $0xD  }
0x9: {  	s14 =	simm.s32 $0x0;
	s8 =	ssub.s32 $0x2, s4;
	s4 =	sor.u32 s7, s5  }
0xa: {  	v3 =	vlaneseq.u32;
	s31 =	sshrl.u32 s8, $0x1;
	s7 =	sshll.u32 s4, $0x5;
	s9 =	sshrl.u32 s4, $0x3  }
0xb: {  	v2 =	vimm.s32 $0x0;
	v4 =	vand.u32 $0x7, v3;
	s8 =	ssub.s32 s8, s31;
	s5 =	sadd.s32 s1, s7;
	s6 =	sadd.s32 s6, s9  }
0xc: {  	v3 =	vmul.u32 $0x100, v3;
	v4 =	vmul.u32 $0x80, v4;
	v0 =	vimm.f32 $0.0e+00;
	s8 =	smax.u32 s8, $0x1;
	s9 =	simm.s32 $0x3;
	s7 =	sadd.s32 $0x1000, s5;
	v1 =	vpop (erf)  }
.LBB2_1:
0xd: {  	[tilespmem:s2], [sflag:$0x3] =	stream.linear.gather [hbm4b:s6+s2], $0x2000, $0x38;
	[tilespmem:$0x12000] =	vst v63  }
0xe: {  	s15 =	sand.u32 $0x7800, s2;
	s16 =	sand.u32 $0x380, s2  }
0xf: {  	s17 =	simm.s32 $0x0;
	s15 =	sor.u32 s16, s15;
	s16 =	simm.s32 $0x100  }
.LBB2_2:
0x10: {  	p0 =	sne.s32 s16, $0x7F00;
	[tilespmem:s15+$0x2460] =	vst v0  }
0x11: {  	[tilespmem:s15+$0x246F] =	vst v0  }
0x12: {  	[tilespmem:s15+$0x2000] =	vst v0  }
0x13: {  	[tilespmem:s15+$0x2010] =	vst v0  }
0x14: {  	[tilespmem:s15+$0x2020] =	vst v0  }
0x15: {  	[tilespmem:s15+$0x2030] =	vst v0  }
0x16: {  	[tilespmem:s15+$0x2040] =	vst v0  }
0x17: {  	[tilespmem:s15+$0x2050] =	vst v0  }
0x18: {  	[tilespmem:s15+$0x2060] =	vst v0  }
0x19: {  	[tilespmem:s15+$0x2070] =	vst v0  }
0x1a: {  	[tilespmem:s15+$0x2400] =	vst v0  }
.Ltmp0:
0x1b: {  	[tilespmem:s15+$0x2410] =	vst v0;
	(pc) =	sbr.rel @p0 .LBB2_2-.Ltmp0, $4  }
0x1c: {  	[tilespmem:s15+$0x2420] =	vst v0  }
0x1d: {  	s17 =	sadd.s32 $0x80, s17;
	[tilespmem:s15+$0x2430] =	vst v0  }
0x1e: {  	s18 =	sand.u32 $0x7800, s16;
	s19 =	sand.u32 $0x380, s17;
	[tilespmem:s15+$0x2440] =	vst v0  }
0x1f: {  	s16 =	sadd.s32 $0x100, s16;
	[tilespmem:s15+$0x2450] =	vst v0;
	s15 =	sor.u32 s19, s18  }
0x20: {  	[tilespmem:s15+$0x2460] =	vst v0  }
0x21: {  	[tilespmem:s15+$0x2000] =	vst v0  }
0x22: {  	[tilespmem:s15+$0x2010] =	vst v0  }
0x23: {  	[tilespmem:s15+$0x2020] =	vst v0  }
0x24: {  	[tilespmem:s15+$0x2030] =	vst v0  }
0x25: {  	[tilespmem:s15+$0x2040] =	vst v0  }
0x26: {  	[tilespmem:s15+$0x2050] =	vst v0  }
0x27: {  	[tilespmem:s15+$0x2060] =	vst v0  }
0x28: {  	[tilespmem:s15+$0x2070] =	vst v0  }
0x29: {  	[tilespmem:s15+$0x2400] =	vst v0  }
0x2a: {  	[tilespmem:s15+$0x2410] =	vst v0  }
0x2b: {  	[tilespmem:s15+$0x2420] =	vst v0  }
0x2c: {  	[tilespmem:s15+$0x2430] =	vst v0  }
0x2d: {  	[tilespmem:s15+$0x2440] =	vst v0  }
0x2e: {  	[tilespmem:s15+$0x2450] =	vst v0  }
0x2f: {  	[tilespmem:s15+$0x246F] =	vst v0  }
0x30: {  	_ =	swait.ge [sflag:s9], $0x2000  }
0x31: {  	[sflag:s9] =	ssyncset.done $0x0  }
0x32: {  	s15 =	simm.s32 $0x0;
	[sflag:s9] =	ssyncadd.s32 $0xFFFFE000  }
0x33: {  	v5 =	vld [tilespmem:s15+$0x0];
	_ =	sdelay $0x4  }
0x34: {  	v5 =	vmax.f32 v5, $-2.000000000e+01  }
0x35: {  	v5 =	vmin.f32 v5, $2.000000000e+01  }
0x36: {  	v5 =	vadd.f32 $2.000000000e+01, v5;
	_ =	sdelay $0x1  }
0x37: {  	v5 =	vmul.f32 v5, v1;
	_ =	sdelay $0x1  }
0x38: {  	v6 =	vtrunc.f32 v5  }
0x39: {  	v6 =	vcvt.f32.s32 v6;
	_ =	sdelay $0x1  }
0x3a: {  	vm0 =	vlt.s32 v6, $0xFE  }
0x3b: {  	v6 =	vnsel vm0, $0xFE, v6  }
0x3c: {  	v7 =	vmov s15;
	v8 =	vcvt.s32.f32 v6  }
0x3d: {  	v7 =	vshll.u32 v7, $0x8  }
0x3e: {  	v7 =	vor.u32 v3, v7;
	v9 =	vshll.u32 v6, $0x3;
	vm14 =	vgt.f32 v5, v8  }
0x3f: {  	v7 =	vand.u32 $0x7800, v7;
	v9 =	vand.u32 $0xFFFFFC00, v9;
	v10 =	vsel vm14, $0x1, v2  }
0x40: {  	v11 =	vand.u32 $0x7F, v6;
	v9 =	vadd.s32 v7, v9;
	v6 =	vadd.s32 v10, v6  }
0x41: {  	v9 =	vor.u32 v11, v9;
	vm15 =	vlt.s32 v6, $0xFE  }
0x42: {  	v9 =	vor.u32 v4, v9;
	v6 =	vnsel vm15, $0xFE, v6  }
0x43: {  	v5 =	vsub.f32 v5, v8;
	v8 =	vshll.u32 v6, $0x3  }
0x44: {  	v8 =	vand.u32 $0xFFFFFC00, v8  }
0x45: {  	v63 =	vsub.f32 $1.000000000e+00, v5;
	v6 =	vand.u32 $0x7F, v6;
	v7 =	vadd.s32 v7, v8  }
0x46: {  	v6 =	vor.u32 v6, v7  }
0x47: {  	s16 =	simm.s32 $0x10;
	[tilespmem:v9+s10+$0x0] =	vst.idx.msk $0xffff, v63;
	v6 =	vor.u32 v4, v6  }
.LBB2_4:
0x48: {  	_ =	sdelay $0x2  }
0x49: {  	p0 =	sne.s32 s16, $0x70  }
0x4a: {  	[tilespmem:v6+s10+$0x0] =	vst.idx.add.f32.msk $0xffff, v5;
	s15 =	sadd.s32 $0x10, s15;
	s17 =	smov.u32 s16;
	s16 =	sadd.s32 $0x10, s16  }
0x4b: {  	v5 =	vld [tilespmem:s15+$0x0];
	_ =	sdelay $0x4  }
0x4c: {  	v5 =	vmax.f32 v5, $-2.000000000e+01  }
0x4d: {  	v5 =	vmin.f32 v5, $2.000000000e+01  }
0x4e: {  	v5 =	vadd.f32 $2.000000000e+01, v5;
	_ =	sdelay $0x1  }
0x4f: {  	v5 =	vmul.f32 v5, v1;
	_ =	sdelay $0x1  }
0x50: {  	v6 =	vtrunc.f32 v5  }
0x51: {  	v6 =	vcvt.f32.s32 v6;
	_ =	sdelay $0x1  }
0x52: {  	v7 =	vmov s17;
	vm0 =	vlt.s32 v6, $0xFE  }
0x53: {  	v7 =	vshll.u32 v7, $0x8;
	v6 =	vnsel vm0, $0xFE, v6  }
0x54: {  	v7 =	vor.u32 v3, v7;
	v8 =	vcvt.s32.f32 v6;
	v9 =	vshll.u32 v6, $0x3  }
0x55: {  	v7 =	vand.u32 $0x7800, v7;
	v9 =	vand.u32 $0xFFFFFC00, v9  }
0x56: {  	v10 =	vand.u32 $0x7F, v6;
	vm0 =	vgt.f32 v5, v8;
	v9 =	vadd.s32 v7, v9  }
0x57: {  	v5 =	vsub.f32 v5, v8;
	v11 =	vsel vm0, $0x1, v2;
	v8 =	vor.u32 v10, v9  }
0x58: {  	v6 =	vadd.s32 v11, v6;
	v8 =	vor.u32 v4, v8  }
0x59: {  	vm0 =	vlt.s32 v6, $0xFE  }
0x5a: {  	v6 =	vnsel vm0, $0xFE, v6  }
.Ltmp1:
0x5b: {  	v9 =	vsub.f32 $1.000000000e+00, v5;
	v10 =	vshll.u32 v6, $0x3;
	(pc) =	sbr.rel @p0 .LBB2_4-.Ltmp1, $4  }
0x5c: {  	v10 =	vand.u32 $0xFFFFFC00, v10  }
0x5d: {  	v6 =	vand.u32 $0x7F, v6;
	[tilespmem:v8+s10+$0x0] =	vst.idx.msk $0xffff, v9;
	v7 =	vadd.s32 v7, v10  }
0x5e: {  	v6 =	vor.u32 v6, v7  }
0x5f: {  	v6 =	vor.u32 v4, v6  }
0x60: {  	_ =	sdelay $0x3  }
0x61: {  	[tilespmem:v6+s10+$0x0] =	vst.idx.add.f32.msk $0xffff, v5;
	s16 =	simm.s32 $0x0  }
0x62: {  	[hbm4b:s5+s16] =	stream.linear.scatter [tilespmem:s10], [sflag:$0x1], $0x8000, $0x38;
	[tilespmem:$0x12000] =	vst v63  }
0x63: {  	s15 =	sand.u32 $0x7800, s16;
	s17 =	sand.u32 $0x380, s16  }
0x64: {  	s18 =	simm.s32 $0x0;
	s15 =	sor.u32 s17, s15;
	s17 =	simm.s32 $0x100  }
.LBB2_6:
0x65: {  	p0 =	sne.s32 s17, $0x7F00;
	[tilespmem:s15+$0xA460] =	vst v0  }
0x66: {  	[tilespmem:s15+$0xA46F] =	vst v0  }
0x67: {  	[tilespmem:s15+$0xA000] =	vst v0  }
0x68: {  	[tilespmem:s15+$0xA010] =	vst v0  }
0x69: {  	[tilespmem:s15+$0xA020] =	vst v0  }
0x6a: {  	[tilespmem:s15+$0xA030] =	vst v0  }
0x6b: {  	[tilespmem:s15+$0xA040] =	vst v0  }
0x6c: {  	[tilespmem:s15+$0xA050] =	vst v0  }
0x6d: {  	[tilespmem:s15+$0xA060] =	vst v0  }
0x6e: {  	[tilespmem:s15+$0xA070] =	vst v0  }
0x6f: {  	[tilespmem:s15+$0xA400] =	vst v0  }
.Ltmp2:
0x70: {  	[tilespmem:s15+$0xA410] =	vst v0;
	(pc) =	sbr.rel @p0 .LBB2_6-.Ltmp2, $4  }
0x71: {  	[tilespmem:s15+$0xA420] =	vst v0  }
0x72: {  	s18 =	sadd.s32 $0x80, s18;
	[tilespmem:s15+$0xA430] =	vst v0  }
0x73: {  	s19 =	sand.u32 $0x7800, s17;
	s20 =	sand.u32 $0x380, s18;
	[tilespmem:s15+$0xA440] =	vst v0  }
0x74: {  	s17 =	sadd.s32 $0x100, s17;
	[tilespmem:s15+$0xA450] =	vst v0;
	s15 =	sor.u32 s20, s19  }
0x75: {  	[tilespmem:s15+$0xA460] =	vst v0  }
0x76: {  	[tilespmem:s15+$0xA000] =	vst v0  }
0x77: {  	[tilespmem:s15+$0xA010] =	vst v0  }
0x78: {  	[tilespmem:s15+$0xA020] =	vst v0  }
0x79: {  	[tilespmem:s15+$0xA030] =	vst v0  }
0x7a: {  	[tilespmem:s15+$0xA040] =	vst v0  }
0x7b: {  	[tilespmem:s15+$0xA050] =	vst v0  }
0x7c: {  	[tilespmem:s15+$0xA060] =	vst v0  }
0x7d: {  	[tilespmem:s15+$0xA070] =	vst v0  }
0x7e: {  	[tilespmem:s15+$0xA400] =	vst v0  }
0x7f: {  	[tilespmem:s15+$0xA410] =	vst v0  }
0x80: {  	[tilespmem:s15+$0xA420] =	vst v0  }
0x81: {  	[tilespmem:s15+$0xA430] =	vst v0  }
0x82: {  	[tilespmem:s15+$0xA440] =	vst v0  }
0x83: {  	[tilespmem:s15+$0xA450] =	vst v0  }
0x84: {  	[tilespmem:s15+$0xA46F] =	vst v0;
	s15 =	simm.s32 $0x80  }
0x85: {  	v5 =	vld [tilespmem:s15+$0x0];
	_ =	sdelay $0x4  }
0x86: {  	v5 =	vmax.f32 v5, $-2.000000000e+01  }
0x87: {  	v5 =	vmin.f32 v5, $2.000000000e+01  }
0x88: {  	v5 =	vadd.f32 $2.000000000e+01, v5;
	_ =	sdelay $0x1  }
0x89: {  	v5 =	vmul.f32 v5, v1;
	_ =	sdelay $0x1  }
0x8a: {  	v6 =	vtrunc.f32 v5  }
0x8b: {  	v6 =	vcvt.f32.s32 v6;
	_ =	sdelay $0x1  }
0x8c: {  	vm0 =	vlt.s32 v6, $0xFE  }
0x8d: {  	v6 =	vnsel vm0, $0xFE, v6  }
0x8e: {  	v7 =	vmov s16;
	v8 =	vcvt.s32.f32 v6  }
0x8f: {  	v7 =	vshll.u32 v7, $0x8  }
0x90: {  	v7 =	vor.u32 v3, v7;
	v9 =	vshll.u32 v6, $0x3;
	vm14 =	vgt.f32 v5, v8  }
0x91: {  	v7 =	vand.u32 $0x7800, v7;
	v9 =	vand.u32 $0xFFFFFC00, v9;
	v10 =	vsel vm14, $0x1, v2  }
0x92: {  	v11 =	vand.u32 $0x7F, v6;
	v9 =	vadd.s32 v7, v9;
	v6 =	vadd.s32 v10, v6  }
0x93: {  	v9 =	vor.u32 v11, v9;
	vm15 =	vlt.s32 v6, $0xFE  }
0x94: {  	v9 =	vor.u32 v4, v9;
	v6 =	vnsel vm15, $0xFE, v6  }
0x95: {  	v5 =	vsub.f32 v5, v8;
	v8 =	vshll.u32 v6, $0x3  }
0x96: {  	v8 =	vand.u32 $0xFFFFFC00, v8  }
0x97: {  	v63 =	vsub.f32 $1.000000000e+00, v5;
	v6 =	vand.u32 $0x7F, v6;
	v7 =	vadd.s32 v7, v8  }
0x98: {  	v6 =	vor.u32 v6, v7  }
0x99: {  	s16 =	simm.s32 $0x10;
	[tilespmem:v9+s11+$0x0] =	vst.idx.msk $0xffff, v63;
	v6 =	vor.u32 v4, v6  }
.LBB2_8:
0x9a: {  	_ =	sdelay $0x2  }
0x9b: {  	p0 =	sne.s32 s16, $0x70  }
0x9c: {  	[tilespmem:v6+s11+$0x0] =	vst.idx.add.f32.msk $0xffff, v5;
	s15 =	sadd.s32 $0x10, s15;
	s17 =	smov.u32 s16;
	s16 =	sadd.s32 $0x10, s16  }
0x9d: {  	v5 =	vld [tilespmem:s15+$0x0];
	_ =	sdelay $0x4  }
0x9e: {  	v5 =	vmax.f32 v5, $-2.000000000e+01  }
0x9f: {  	v5 =	vmin.f32 v5, $2.000000000e+01  }
0xa0: {  	v5 =	vadd.f32 $2.000000000e+01, v5;
	_ =	sdelay $0x1  }
0xa1: {  	v5 =	vmul.f32 v5, v1;
	_ =	sdelay $0x1  }
0xa2: {  	v6 =	vtrunc.f32 v5  }
0xa3: {  	v6 =	vcvt.f32.s32 v6;
	_ =	sdelay $0x1  }
0xa4: {  	v7 =	vmov s17;
	vm0 =	vlt.s32 v6, $0xFE  }
0xa5: {  	v7 =	vshll.u32 v7, $0x8;
	v6 =	vnsel vm0, $0xFE, v6  }
0xa6: {  	v7 =	vor.u32 v3, v7;
	v8 =	vcvt.s32.f32 v6;
	v9 =	vshll.u32 v6, $0x3  }
0xa7: {  	v7 =	vand.u32 $0x7800, v7;
	v9 =	vand.u32 $0xFFFFFC00, v9  }
0xa8: {  	v10 =	vand.u32 $0x7F, v6;
	vm0 =	vgt.f32 v5, v8;
	v9 =	vadd.s32 v7, v9  }
0xa9: {  	v5 =	vsub.f32 v5, v8;
	v11 =	vsel vm0, $0x1, v2;
	v8 =	vor.u32 v10, v9  }
0xaa: {  	v6 =	vadd.s32 v11, v6;
	v8 =	vor.u32 v4, v8  }
0xab: {  	vm0 =	vlt.s32 v6, $0xFE  }
0xac: {  	v6 =	vnsel vm0, $0xFE, v6  }
.Ltmp3:
0xad: {  	v9 =	vsub.f32 $1.000000000e+00, v5;
	v10 =	vshll.u32 v6, $0x3;
	(pc) =	sbr.rel @p0 .LBB2_8-.Ltmp3, $4  }
0xae: {  	v10 =	vand.u32 $0xFFFFFC00, v10  }
0xaf: {  	v6 =	vand.u32 $0x7F, v6;
	[tilespmem:v8+s11+$0x0] =	vst.idx.msk $0xffff, v9;
	v7 =	vadd.s32 v7, v10  }
0xb0: {  	v6 =	vor.u32 v6, v7  }
0xb1: {  	v6 =	vor.u32 v4, v6  }
0xb2: {  	_ =	sdelay $0x3  }
0xb3: {  	[tilespmem:v6+s11+$0x0] =	vst.idx.add.f32.msk $0xffff, v5;
	s15 =	simm.s32 $0x1;
	s16 =	simm.s32 $0x100;
	s17 =	simm.s32 $0x180  }
0xb4: {  	[hbm4b:s7+s2] =	stream.linear.scatter [tilespmem:s11], [sflag:$0x2], $0x8000, $0x38;
	[tilespmem:$0x12000] =	vst v63  }
.LBB2_10:
0xb5: {  	_ =	swait.ge [sflag:s12], $0x8000  }
0xb6: {  	s18 =	sshll.u32 s15, $0x8;
	[sflag:s12] =	ssyncset.done $0x0  }
0xb7: {  	s19 =	simm.s32 $0x0;
	s20 =	smov.u32 s16;
	[sflag:s12] =	ssyncadd.s32 $0xFFFF8000  }
.LBB2_11:
0xb8: {  	v5 =	vld [tilespmem:s20+$0xFFFFFF00];
	_ =	sdelay $0x4  }
0xb9: {  	v5 =	vmax.f32 v5, $-2.000000000e+01  }
0xba: {  	v5 =	vmin.f32 v5, $2.000000000e+01  }
0xbb: {  	v5 =	vadd.f32 $2.000000000e+01, v5;
	_ =	sdelay $0x1  }
0xbc: {  	v5 =	vmul.f32 v5, v1;
	_ =	sdelay $0x1  }
0xbd: {  	v6 =	vtrunc.f32 v5  }
0xbe: {  	v6 =	vcvt.f32.s32 v6;
	_ =	sdelay $0x1  }
0xbf: {  	vm0 =	vlt.s32 v6, $0xFE  }
0xc0: {  	v6 =	vnsel vm0, $0xFE, v6  }
0xc1: {  	v7 =	vcvt.s32.f32 v6;
	_ =	sdelay $0x1  }
0xc2: {  	vm11 =	vgt.f32 v5, v7  }
0xc3: {  	v5 =	vsel vm11, $0x1, v2  }
0xc4: {  	v7 =	vmov s19;
	v5 =	vadd.s32 v5, v6  }
0xc5: {  	v7 =	vshll.u32 v7, $0x8;
	vm12 =	vlt.s32 v5, $0xFE  }
0xc6: {  	v8 =	vshll.u32 v6, $0x3;
	v7 =	vor.u32 v3, v7;
	v5 =	vnsel vm12, $0xFE, v5  }
0xc7: {  	v8 =	vand.u32 $0xFFFFFC00, v8;
	v7 =	vand.u32 $0x7800, v7;
	v9 =	vshll.u32 v5, $0x3  }
0xc8: {  	v6 =	vand.u32 $0x7F, v6;
	v8 =	vadd.s32 v7, v8;
	v9 =	vand.u32 $0xFFFFFC00, v9  }
0xc9: {  	v6 =	vor.u32 v6, v8;
	v5 =	vand.u32 $0x7F, v5;
	v61 =	vadd.s32 v7, v9  }
0xca: {  	v6 =	vor.u32 v4, v6;
	v5 =	vor.u32 v5, v61  }
0xcb: {  	v5 =	vor.u32 v4, v5;
	_ =	sdelay $0x3  }
0xcc: {  	[tilespmem:v6+s10+$0x0] =	vst.idx.msk $0xffff, v0  }
0xcd: {  	[tilespmem:v5+s10+$0x0] =	vst.idx.msk $0xffff, v0  }
0xce: {  	v5 =	vld [tilespmem:s20+$0x0];
	_ =	sdelay $0x4  }
0xcf: {  	v5 =	vmax.f32 v5, $-2.000000000e+01  }
0xd0: {  	v5 =	vmin.f32 v5, $2.000000000e+01  }
0xd1: {  	v5 =	vadd.f32 $2.000000000e+01, v5;
	_ =	sdelay $0x1  }
0xd2: {  	v5 =	vmul.f32 v5, v1;
	_ =	sdelay $0x1  }
0xd3: {  	v6 =	vtrunc.f32 v5  }
0xd4: {  	v6 =	vcvt.f32.s32 v6;
	_ =	sdelay $0x1  }
0xd5: {  	vm13 =	vlt.s32 v6, $0xFE  }
0xd6: {  	v6 =	vnsel vm13, $0xFE, v6  }
0xd7: {  	v62 =	vcvt.s32.f32 v6;
	_ =	sdelay $0x1  }
0xd8: {  	vm14 =	vgt.f32 v5, v62  }
0xd9: {  	v63 =	vsel vm14, $0x1, v2  }
0xda: {  	v9 =	vadd.s32 v63, v6  }
0xdb: {  	vm15 =	vlt.s32 v9, $0xFE  }
0xdc: {  	v10 =	vshll.u32 v6, $0x3;
	v9 =	vnsel vm15, $0xFE, v9  }
0xdd: {  	v10 =	vand.u32 $0xFFFFFC00, v10;
	v11 =	vshll.u32 v9, $0x3  }
0xde: {  	v10 =	vadd.s32 v7, v10;
	v6 =	vand.u32 $0x7F, v6;
	v11 =	vand.u32 $0xFFFFFC00, v11  }
0xdf: {  	v6 =	vor.u32 v6, v10;
	v9 =	vand.u32 $0x7F, v9;
	v7 =	vadd.s32 v7, v11  }
0xe0: {  	v6 =	vor.u32 v4, v6;
	v7 =	vor.u32 v9, v7  }
0xe1: {  	p0 =	sne.s32 s19, $0x70;
	v5 =	vsub.f32 v5, v62;
	v7 =	vor.u32 v4, v7  }
.Ltmp4:
0xe2: {  	_ = 	snop;
	(pc) =	sbr.rel @p0 .LBB2_11-.Ltmp4, $3  }
0xe3: {  	v8 =	vsub.f32 $1.000000000e+00, v5;
	_ =	sdelay $0x1  }
0xe4: {  	[tilespmem:v6+s10+$0x0] =	vst.idx.msk $0xffff, v8  }
0xe5: {  	s19 =	sadd.s32 $0x10, s19;
	s20 =	sadd.s32 $0x10, s20;
	[tilespmem:v7+s10+$0x0] =	vst.idx.add.f32.msk $0xffff, v5  }
0xe6: {  	s19 =	sadd.s32 s4, s18  }
0xe7: {  	s19 =	sshll.u32 s19, $0x5  }
0xe8: {  	s20 =	sadd.s32 s1, s19;
	s19 =	simm.s32 $0x0  }
0xe9: {  	[hbm4b:s20+s19] =	stream.linear.scatter [tilespmem:s10], [sflag:$0x1], $0x8000, $0x38;
	[tilespmem:$0x12000] =	vst v63  }
0xea: {  	_ =	swait.ge [sflag:s13], $0x8000  }
0xeb: {  	[sflag:s13] =	ssyncset.done $0x0  }
0xec: {  	s18 =	sor.u32 $0x80, s18;
	s20 =	smov.u32 s17;
	[sflag:s13] =	ssyncadd.s32 $0xFFFF8000  }
.LBB2_13:
0xed: {  	v5 =	vld [tilespmem:s20+$0xFFFFFF00];
	_ =	sdelay $0x4  }
0xee: {  	v5 =	vmax.f32 v5, $-2.000000000e+01  }
0xef: {  	v5 =	vmin.f32 v5, $2.000000000e+01  }
0xf0: {  	v5 =	vadd.f32 $2.000000000e+01, v5;
	_ =	sdelay $0x1  }
0xf1: {  	v5 =	vmul.f32 v5, v1;
	_ =	sdelay $0x1  }
0xf2: {  	v6 =	vtrunc.f32 v5  }
0xf3: {  	v6 =	vcvt.f32.s32 v6;
	_ =	sdelay $0x1  }
0xf4: {  	vm0 =	vlt.s32 v6, $0xFE  }
0xf5: {  	v6 =	vnsel vm0, $0xFE, v6  }
0xf6: {  	v7 =	vcvt.s32.f32 v6;
	_ =	sdelay $0x1  }
0xf7: {  	vm11 =	vgt.f32 v5, v7  }
0xf8: {  	v5 =	vsel vm11, $0x1, v2  }
0xf9: {  	v7 =	vmov s19;
	v5 =	vadd.s32 v5, v6  }
0xfa: {  	v7 =	vshll.u32 v7, $0x8;
	vm12 =	vlt.s32 v5, $0xFE  }
0xfb: {  	v8 =	vshll.u32 v6, $0x3;
	v7 =	vor.u32 v3, v7;
	v5 =	vnsel vm12, $0xFE, v5  }
0xfc: {  	v8 =	vand.u32 $0xFFFFFC00, v8;
	v7 =	vand.u32 $0x7800, v7;
	v9 =	vshll.u32 v5, $0x3  }
0xfd: {  	v6 =	vand.u32 $0x7F, v6;
	v8 =	vadd.s32 v7, v8;
	v9 =	vand.u32 $0xFFFFFC00, v9  }
0xfe: {  	v6 =	vor.u32 v6, v8;
	v5 =	vand.u32 $0x7F, v5;
	v61 =	vadd.s32 v7, v9  }
0xff: {  	v6 =	vor.u32 v4, v6;
	v5 =	vor.u32 v5, v61  }
0x100: {  	v5 =	vor.u32 v4, v5;
	_ =	sdelay $0x3  }
0x101: {  	[tilespmem:v6+s11+$0x0] =	vst.idx.msk $0xffff, v0  }
0x102: {  	[tilespmem:v5+s11+$0x0] =	vst.idx.msk $0xffff, v0  }
0x103: {  	v5 =	vld [tilespmem:s20+$0x0];
	_ =	sdelay $0x4  }
0x104: {  	v5 =	vmax.f32 v5, $-2.000000000e+01  }
0x105: {  	v5 =	vmin.f32 v5, $2.000000000e+01  }
0x106: {  	v5 =	vadd.f32 $2.000000000e+01, v5;
	_ =	sdelay $0x1  }
0x107: {  	v5 =	vmul.f32 v5, v1;
	_ =	sdelay $0x1  }
0x108: {  	v6 =	vtrunc.f32 v5  }
0x109: {  	v6 =	vcvt.f32.s32 v6;
	_ =	sdelay $0x1  }
0x10a: {  	vm13 =	vlt.s32 v6, $0xFE  }
0x10b: {  	v6 =	vnsel vm13, $0xFE, v6  }
0x10c: {  	v62 =	vcvt.s32.f32 v6;
	_ =	sdelay $0x1  }
0x10d: {  	vm14 =	vgt.f32 v5, v62  }
0x10e: {  	v63 =	vsel vm14, $0x1, v2  }
0x10f: {  	v9 =	vadd.s32 v63, v6  }
0x110: {  	vm15 =	vlt.s32 v9, $0xFE  }
0x111: {  	v10 =	vshll.u32 v6, $0x3;
	v9 =	vnsel vm15, $0xFE, v9  }
0x112: {  	v10 =	vand.u32 $0xFFFFFC00, v10;
	v11 =	vshll.u32 v9, $0x3  }
0x113: {  	v10 =	vadd.s32 v7, v10;
	v6 =	vand.u32 $0x7F, v6;
	v11 =	vand.u32 $0xFFFFFC00, v11  }
0x114: {  	v6 =	vor.u32 v6, v10;
	v9 =	vand.u32 $0x7F, v9;
	v7 =	vadd.s32 v7, v11  }
0x115: {  	v6 =	vor.u32 v4, v6;
	v7 =	vor.u32 v9, v7  }
0x116: {  	p0 =	sne.s32 s19, $0x70;
	v5 =	vsub.f32 v5, v62;
	v7 =	vor.u32 v4, v7  }
.Ltmp5:
0x117: {  	_ = 	snop;
	(pc) =	sbr.rel @p0 .LBB2_13-.Ltmp5, $3  }
0x118: {  	v8 =	vsub.f32 $1.000000000e+00, v5;
	_ =	sdelay $0x1  }
0x119: {  	[tilespmem:v6+s11+$0x0] =	vst.idx.msk $0xffff, v8  }
0x11a: {  	s19 =	sadd.s32 $0x10, s19;
	s20 =	sadd.s32 $0x10, s20;
	[tilespmem:v7+s11+$0x0] =	vst.idx.add.f32.msk $0xffff, v5  }
0x11b: {  	s15 =	sadd.s32 $0x1, s15  }
0x11c: {  	p0 =	sne.s32 s15, $0x20  }
.Ltmp6:
0x11d: {  	_ = 	snop;
	(pc) =	sbr.rel @p0 .LBB2_10-.Ltmp6, $4  }
0x11e: {  	s18 =	sadd.s32 s4, s18  }
0x11f: {  	s18 =	sshll.u32 s18, $0x5  }
0x120: {  	s16 =	sadd.s32 $0x100, s16;
	s17 =	sadd.s32 $0x100, s17;
	s18 =	sadd.s32 s1, s18  }
0x121: {  	[hbm4b:s18+s2] =	stream.linear.scatter [tilespmem:s11], [sflag:$0x2], $0x8000, $0x38;
	[tilespmem:$0x12000] =	vst v63  }
0x122: {  	s14 =	sadd.s32 $0x1, s14  }
0x123: {  	_ =	swait.ge [sflag:s12], $0x8000;
	p0 =	sne.s32 s14, s8  }
.Ltmp7:
0x124: {  	[sflag:s12] =	ssyncset.done $0x0;
	(pc) =	sbr.rel @p0 .LBB2_1-.Ltmp7, $4  }
0x125: {  	[sflag:s12] =	ssyncadd.s32 $0xFFFF8000  }
0x126: {  	_ =	swait.ge [sflag:s13], $0x8000  }
0x127: {  	[sflag:s13] =	ssyncset.done $0x0  }
0x128: {  	[sflag:s13] =	ssyncadd.s32 $0xFFFF8000  }
0x129: {  	_ =	sfence.sel $0x180000  }
0x12a: {  	[bflag:$0x0] =	sbarrier.arrive $0xFFFF  }
0x12b: {  	p0 =	sne.s32 s3, $0x0;
	_ =	strace $0x90000047  }
0x12c: {  	s0 =	sadd.s32 @!p0 $0x100000, s0;
	[bflag:$0x2] =	sbarrier.arrive $0xFFFF  }
0x12d: {  	[sflag:s0] =	ssyncadd.tile.s32 @!p0 $0x1;
	_ =	shalt  }
.Lfunc_end2:
_tile_overlayer_lowered:
.L_overlay_start_2:
0x12e: {  	(tag) =	ssettag $0x2  }
0x12f: {  	s0 =	rddreg [dreg:$0x0];
	s2 =	stileid.u32  }
0x130: {  	s1 =	rddreg [dreg:$0x1];
	p0 =	sne.s32 s2, $0x0  }
0x131: {  	s3 =	rddreg [dreg:$0x2];
	[bflag:$0x3] =	sbarrier.arrive $0xFFFF;
	s2 =	simm.s32 @!p0 $0x1C04  }
0x132: {  	[timem:s3], [sflag:s2] =	dma.local @!p0 [hbm:s0], s1  }
0x133: {  	s0 =	simm.s32 @!p0 $0x4  }
0x134: {  	_ =	swait.ge @!p0 [sflag:s0], s1  }
0x135: {  	s1 =	ssub.s32 @!p0 $0x0, s1;
	[sflag:s0] =	ssyncset.done @!p0 $0x0  }
0x136: {  	[sflag:s0] =	ssyncadd.s32 @!p0 s1  }
0x137: {  	[bflag:$0x3] =	sbarrier.arrive $0xFFFF  }
0x138: {  	_ =	shalt  }

</sc_bundles>
